<compile_context>
chip_gen: v7x
topology: tpu7x:2x2x1
jax: 0.10.2.dev20260603
libtpu: 0.0.44.dev20260713+nightly
codegen_flags: <defaults>
</compile_context>

<pallas_src>
import functools
import math

import jax
import jax.numpy as jnp
from jax import lax
from jax.experimental import pallas as pl
from jax.experimental.pallas import tpu as pltpu
from jax.experimental.pallas import tpu_sc as plsc

D_MODEL_K = 768
D_FF_K = 2048
E_K = 64
T_K = 2048
CAP_K = int(math.ceil(1.25 * 1 * T_K / E_K))
NROWS_K = E_K * CAP_K + 8
TRASH_K = E_K * CAP_K

NC, NS = 2, 16
NW = NC * NS
TPW = T_K // NW


def _router_body(probs_ref, gate_ref, sidx_ref, gidx_ref):
    probs = probs_ref[...]
    gate = jnp.max(probs, axis=1)
    lanes = lax.broadcasted_iota(jnp.int32, (T_K, E_K), 1)
    eidx = jnp.min(jnp.where(probs == gate[:, None], lanes, E_K), axis=1)
    onehot = (lanes == eidx[:, None]).astype(jnp.int32)
    csum = onehot
    s = 1
    while s < T_K:
        csum = csum + jnp.concatenate(
            [jnp.zeros((s, E_K), jnp.int32), csum[:-s]], axis=0)
        s *= 2
    pos = jnp.sum(csum * onehot, axis=1) - 1
    keep = pos < CAP_K
    pos_c = jnp.clip(pos, 0, CAP_K - 1)
    gidx = eidx * CAP_K + pos_c
    gate_ref[...] = jnp.where(keep, gate, 0.0)
    sidx_ref[...] = jnp.where(keep, gidx, TRASH_K)
    gidx_ref[...] = gidx


def _router(probs):
    return pl.pallas_call(
        _router_body,
        out_shape=(
            jax.ShapeDtypeStruct((T_K,), jnp.float32),
            jax.ShapeDtypeStruct((T_K,), jnp.int32),
            jax.ShapeDtypeStruct((T_K,), jnp.int32),
        ),
    )(probs)


@functools.lru_cache(maxsize=None)
def _make_dispatch():
    mesh = plsc.VectorSubcoreMesh(core_axis_name="c", subcore_axis_name="s")

    @functools.partial(
        pl.kernel,
        out_type=jax.ShapeDtypeStruct((NROWS_K, D_MODEL_K), jnp.float32),
        mesh=mesh,
        scratch_types=[
            pltpu.VMEM((TPW,), jnp.int32),
            pltpu.VMEM((TPW, D_MODEL_K), jnp.float32),
            pltpu.SemaphoreType.DMA,
        ],
    )
    def _dispatch(x_hbm, sidx_hbm, buf_hbm, idx_v, rows_v, sem):
        wid = lax.axis_index("s") * NC + lax.axis_index("c")
        base = wid * TPW
        pltpu.sync_copy(sidx_hbm.at[pl.ds(base, TPW)], idx_v)
        pltpu.sync_copy(x_hbm.at[0, pl.ds(base, TPW)], rows_v)
        pltpu.async_copy(rows_v, buf_hbm.at[idx_v], sem).wait()

    return _dispatch


FF_BLK = 2048
N_FF_BLK = D_FF_K // FF_BLK


def _ffn_body(buf_ref, w1_ref, b1_ref, w2_ref, b2_ref, y_ref):
    e = pl.program_id(0)
    f = pl.program_id(1)
    xb = buf_ref[...]
    h = jnp.dot(xb, w1_ref[0], preferred_element_type=jnp.float32)
    h = jax.nn.gelu(h + b1_ref[pl.ds(e, 1)])
    yp = jnp.dot(h, w2_ref[0], preferred_element_type=jnp.float32)

    @pl.when(f == 0)
    def _():
        y_ref[...] = yp + b2_ref[pl.ds(e, 1)]

    @pl.when(f != 0)
    def _():
        y_ref[...] = y_ref[...] + yp


def _ffn(buf, w1, b1, w2, b2):
    return pl.pallas_call(
        _ffn_body,
        grid=(E_K, N_FF_BLK),
        in_specs=[
            pl.BlockSpec((CAP_K, D_MODEL_K), lambda e, f: (e, 0)),
            pl.BlockSpec((1, D_MODEL_K, FF_BLK), lambda e, f: (e, 0, f)),
            pl.BlockSpec((E_K, D_FF_K), lambda e, f: (0, 0)),
            pl.BlockSpec((1, FF_BLK, D_MODEL_K), lambda e, f: (e, f, 0)),
            pl.BlockSpec((E_K, D_MODEL_K), lambda e, f: (0, 0)),
        ],
        out_specs=pl.BlockSpec((CAP_K, D_MODEL_K), lambda e, f: (e, 0)),
        out_shape=jax.ShapeDtypeStruct((E_K * CAP_K, D_MODEL_K), jnp.float32),
    )(buf, w1, b1, w2, b2)


@functools.lru_cache(maxsize=None)
def _make_combine():
    mesh = plsc.VectorSubcoreMesh(core_axis_name="c", subcore_axis_name="s")

    @functools.partial(
        pl.kernel,
        out_type=jax.ShapeDtypeStruct((T_K, D_MODEL_K), jnp.float32),
        mesh=mesh,
        scratch_types=[
            pltpu.VMEM((TPW,), jnp.int32),
            pltpu.VMEM((TPW,), jnp.float32),
            pltpu.VMEM((TPW, D_MODEL_K), jnp.float32),
            pltpu.SemaphoreType.DMA,
        ],
    )
    def _combine(y_hbm, gidx_hbm, gate_hbm, out_hbm, idx_v, gate_v, rows_v, sem):
        wid = lax.axis_index("s") * NC + lax.axis_index("c")
        base = wid * TPW
        pltpu.sync_copy(gidx_hbm.at[pl.ds(base, TPW)], idx_v)
        pltpu.sync_copy(gate_hbm.at[pl.ds(base, TPW)], gate_v)
        pltpu.async_copy(y_hbm.at[idx_v], rows_v, sem).wait()

        dn = lax.GatherDimensionNumbers(
            offset_dims=(), collapsed_slice_dims=(0,), start_index_map=(0,))

        def _row(i, carry):
            g16 = gate_v[pl.ds((i // 16) * 16, 16)]
            g = lax.gather(g16, jnp.full((16, 1), i % 16, jnp.int32), dn,
                           slice_sizes=(1,),
                           mode=lax.GatherScatterMode.PROMISE_IN_BOUNDS)
            for j in range(D_MODEL_K // 16):
                rows_v[i, pl.ds(j * 16, 16)] = rows_v[i, pl.ds(j * 16, 16)] * g
            return carry

        lax.fori_loop(0, TPW, _row, 0)
        pltpu.sync_copy(rows_v, out_hbm.at[pl.ds(base, TPW)])

    return _combine


def _scale_body(g_ref, gate_ref, out_ref):
    out_ref[...] = g_ref[...] * gate_ref[...]


def _scale(g, gate):
    return pl.pallas_call(
        _scale_body,
        grid=(8,),
        in_specs=[
            pl.BlockSpec((T_K // 8, D_MODEL_K), lambda i: (i, 0)),
            pl.BlockSpec((T_K // 8, 1), lambda i: (i, 0)),
        ],
        out_specs=pl.BlockSpec((T_K // 8, D_MODEL_K), lambda i: (i, 0)),
        out_shape=jax.ShapeDtypeStruct((T_K, D_MODEL_K), jnp.float32),
    )(g, gate)


@jax.jit
def kernel(hidden_states, wg, w1, b1, w2, b2):
    B, S, D = hidden_states.shape
    x = hidden_states.reshape(-1, D)
    logits = x @ wg
    probs = jax.nn.softmax(logits, axis=-1)
    gate, sidx, gidx = _router(probs)
    buf = _make_dispatch()(hidden_states, sidx)
    y = _ffn(buf, w1, b1, w2, b2)
    out = _make_combine()(y, gidx, gate)
    return out.reshape(B, S, D)

# --- scband reference (transcript-rebuilt; emitter-appended) ---
"""Pipeline reference for scband-tutel-mo-eblock-83597243449393 (READ-ONLY COPY).

The authoritative reference and input builder live on the scoring server;
editing this copy changes nothing except your own understanding.
"""

import math
import jax, jax.numpy as jnp
import numpy as np

D_MODEL = 768
D_FF = 2048
NUM_EXPERTS = 64
TOP_K = 1
CAP_FACTOR = 1.25


def setup_inputs(seed: int = 0) -> dict:
    key = jax.random.key(seed)
    k0, k1, k2, k3 = jax.random.split(key, 4)
    hidden_states = jax.random.normal(k0, (1, 2048, D_MODEL), dtype=jnp.float32)
    wg = jax.random.normal(k1, (D_MODEL, NUM_EXPERTS), dtype=jnp.float32) * 0.02
    w1 = jax.random.normal(k2, (NUM_EXPERTS, D_MODEL, D_FF), dtype=jnp.float32) * 0.02
    b1 = jnp.zeros((NUM_EXPERTS, D_FF), dtype=jnp.float32)
    w2 = jax.random.normal(k3, (NUM_EXPERTS, D_FF, D_MODEL), dtype=jnp.float32) * 0.02
    b2 = jnp.zeros((NUM_EXPERTS, D_MODEL), dtype=jnp.float32)
    return {"hidden_states": hidden_states, "wg": wg, "w1": w1, "b1": b1, "w2": w2, "b2": b2}


def reference(hidden_states, wg, w1, b1, w2, b2):
    B, S, D = hidden_states.shape
    x = hidden_states.reshape(-1, D)
    T = x.shape[0]
    E = wg.shape[1]
    C = int(math.ceil(CAP_FACTOR * TOP_K * T / E))
    # top-1 gating (Tutel 'top' gate with k=1)
    logits = x @ wg
    probs = jax.nn.softmax(logits, axis=-1)
    gate_vals, idx = jax.lax.top_k(probs, TOP_K)
    gate = gate_vals[:, 0]
    eidx = idx[:, 0]
    # capacity-based dispatch: position of each token within its expert
    onehot = jax.nn.one_hot(eidx, E, dtype=jnp.int32)
    pos = (jnp.cumsum(onehot, axis=0) * onehot).sum(-1) - 1
    keep = (pos < C).astype(x.dtype)
    pos_c = jnp.clip(pos, 0, C - 1)
    gate = gate * keep
    # scatter tokens into expert buffers [E, C, D]
    buf = jnp.zeros((E, C, D), dtype=x.dtype).at[eidx, pos_c].add(x * keep[:, None])
    # expert FFN
    h = jax.nn.gelu(jnp.einsum('ecd,edf->ecf', buf, w1) + b1[:, None, :])
    y = jnp.einsum('ecf,efd->ecd', h, w2) + b2[:, None, :]
    # gather back and combine with gate weights
    out = y[eidx, pos_c] * gate[:, None]
    return out.reshape(B, S, D)

if __name__ == "__main__":
    import jax
    _d = setup_inputs()
    print(jax.jit(kernel)(*tuple(_d.values())))

</pallas_src>

<mosaic_0001>
#map = affine_map<(d0, d1) -> (0, 0, 0)>
#map1 = affine_map<(d0, d1) -> (0)>
#map2 = affine_map<(d0, d1) -> (0, 0)>
module attributes {stable_mosaic.version = 14 : i64} {
  func.func @_dispatch(%arg0: i32, %arg1: i32, %arg2: memref<1x2048x768xf32, #tpu.memory_space<hbm>>, %arg3: memref<2048xi32, #tpu.memory_space<hbm>>, %arg4: memref<2568x768xf32, #tpu.memory_space<hbm>>, %arg5: memref<64xi32, #tpu.memory_space<vmem>>, %arg6: memref<64x768xf32, #tpu.memory_space<vmem>>, %arg7: memref<!tpu.dma_semaphore, #tpu.memory_space<semaphore_mem>>) attributes {dimension_semantics = [#tpu.dimension_semantics<core_parallel>, #tpu.dimension_semantics<subcore_parallel>], iteration_bounds = array<i64: 2, 16>, scalar_prefetch = 0 : i64, scratch_operands = 3 : i64, tpu.core_type = #tpu.core_type<sc_vector_subcore>, window_params = [{transform_indices = #map}, {transform_indices = #map1}, {transform_indices = #map2}]} {
    %mul3A = arith.constant 2 : i32
    %mul3A_0 = arith.muli %arg1, %mul3A : i32
    %add3A = arith.addi %mul3A_0, %arg0 : i32
    %mul3A_1 = arith.constant 64 : i32
    %mul3A_2 = arith.muli %add3A, %mul3A_1 : i32
    "tpu.region"() ({
      %run_scoped3A_7 = tpu.sem_alloc : memref<!tpu.dma_semaphore, #tpu.memory_space<semaphore_mem>>
      %dma_start3A_8 = tpu.memref_slice %arg3[%mul3A_2] : memref<2048xi32, #tpu.memory_space<hbm>> -> memref<64xi32, #tpu.memory_space<hbm>>
      %dma_start3A_9 = tpu.memref_slice %arg3[%mul3A_2] : memref<2048xi32, #tpu.memory_space<hbm>> -> memref<64xi32, #tpu.memory_space<hbm>>
      tpu.enqueue_dma source(%dma_start3A_9 : memref<64xi32, #tpu.memory_space<hbm>>) target(%arg5 : memref<64xi32, #tpu.memory_space<vmem>>) target_semaphore(%run_scoped3A_7 : memref<!tpu.dma_semaphore, #tpu.memory_space<semaphore_mem>>)
      %dma_wait3A_10 = tpu.memref_slice %arg3[%mul3A_2] : memref<2048xi32, #tpu.memory_space<hbm>> -> memref<64xi32, #tpu.memory_space<hbm>>
      %dma_wait3A_11 = tpu.memref_slice %arg3[%mul3A_2] : memref<2048xi32, #tpu.memory_space<hbm>> -> memref<64xi32, #tpu.memory_space<hbm>>
      tpu.wait_dma2 semaphore(%run_scoped3A_7 : memref<!tpu.dma_semaphore, #tpu.memory_space<semaphore_mem>>) src(%dma_wait3A_11 : memref<64xi32, #tpu.memory_space<hbm>>) dst(%arg5 : memref<64xi32, #tpu.memory_space<vmem>>)
      tpu.yield
    }) : () -> ()
    %run_scoped3A = arith.constant 0 : i32
    "tpu.region"() ({
      %run_scoped3A_7 = tpu.sem_alloc : memref<!tpu.dma_semaphore, #tpu.memory_space<semaphore_mem>>
      %dma_start3A_8 = arith.constant 0 : i32
      %dma_start3A_9 = tpu.memref_slice %arg2[%run_scoped3A, %mul3A_2, %dma_start3A_8] : memref<1x2048x768xf32, #tpu.memory_space<hbm>> -> memref<1x64x768xf32, #tpu.memory_space<hbm>>
      %dma_start3A_10 = tpu.memref_squeeze %dma_start3A_9 : memref<1x64x768xf32, #tpu.memory_space<hbm>> -> memref<64x768xf32, #tpu.memory_space<hbm>>
      %dma_start3A_11 = arith.constant 0 : i32
      %dma_start3A_12 = tpu.memref_slice %arg2[%run_scoped3A, %mul3A_2, %dma_start3A_11] : memref<1x2048x768xf32, #tpu.memory_space<hbm>> -> memref<1x64x768xf32, #tpu.memory_space<hbm>>
      %dma_start3A_13 = tpu.memref_squeeze %dma_start3A_12 : memref<1x64x768xf32, #tpu.memory_space<hbm>> -> memref<64x768xf32, #tpu.memory_space<hbm>>
      tpu.enqueue_dma source(%dma_start3A_13 : memref<64x768xf32, #tpu.memory_space<hbm>>) target(%arg6 : memref<64x768xf32, #tpu.memory_space<vmem>>) target_semaphore(%run_scoped3A_7 : memref<!tpu.dma_semaphore, #tpu.memory_space<semaphore_mem>>)
      %dma_wait3A_14 = arith.constant 0 : i32
      %dma_wait3A_15 = tpu.memref_slice %arg2[%run_scoped3A, %mul3A_2, %dma_wait3A_14] : memref<1x2048x768xf32, #tpu.memory_space<hbm>> -> memref<1x64x768xf32, #tpu.memory_space<hbm>>
      %dma_wait3A_16 = tpu.memref_squeeze %dma_wait3A_15 : memref<1x64x768xf32, #tpu.memory_space<hbm>> -> memref<64x768xf32, #tpu.memory_space<hbm>>
      %dma_wait3A_17 = arith.constant 0 : i32
      %dma_wait3A_18 = tpu.memref_slice %arg2[%run_scoped3A, %mul3A_2, %dma_wait3A_17] : memref<1x2048x768xf32, #tpu.memory_space<hbm>> -> memref<1x64x768xf32, #tpu.memory_space<hbm>>
      %dma_wait3A_19 = tpu.memref_squeeze %dma_wait3A_18 : memref<1x64x768xf32, #tpu.memory_space<hbm>> -> memref<64x768xf32, #tpu.memory_space<hbm>>
      tpu.wait_dma2 semaphore(%run_scoped3A_7 : memref<!tpu.dma_semaphore, #tpu.memory_space<semaphore_mem>>) src(%dma_wait3A_19 : memref<64x768xf32, #tpu.memory_space<hbm>>) dst(%arg6 : memref<64x768xf32, #tpu.memory_space<vmem>>)
      tpu.yield
    }) : () -> ()
    %dma_start3A = arith.constant 0 : i32
    %dma_start3A_3 = arith.constant 0 : i32
    %dma_start3A_4 = tpu.memref_slice %arg4[%dma_start3A, %dma_start3A_3] : memref<2568x768xf32, #tpu.memory_space<hbm>> -> memref<2568x768xf32, #tpu.memory_space<hbm>>
    tpu.enqueue_indirect_dma source(%arg6 : memref<64x768xf32, #tpu.memory_space<vmem>>) target(%dma_start3A_4 : memref<2568x768xf32, #tpu.memory_space<hbm>>) offsets(%arg5 : memref<64xi32, #tpu.memory_space<vmem>>) semaphore(%arg7 : memref<!tpu.dma_semaphore, #tpu.memory_space<semaphore_mem>>)
    %dma_wait3A = arith.constant 0 : i32
    %dma_wait3A_5 = arith.constant 0 : i32
    %dma_wait3A_6 = tpu.memref_slice %arg4[%dma_wait3A, %dma_wait3A_5] : memref<2568x768xf32, #tpu.memory_space<hbm>> -> memref<2568x768xf32, #tpu.memory_space<hbm>>
    tpu.wait_indirect_dma semaphore(%arg7 : memref<!tpu.dma_semaphore, #tpu.memory_space<semaphore_mem>>) src(%arg6 : memref<64x768xf32, #tpu.memory_space<vmem>>) dst(%dma_wait3A_6 : memref<2568x768xf32, #tpu.memory_space<hbm>>)
    return
  }
}

#map = affine_map<(d0, d1) -> (0, 0)>
#map1 = affine_map<(d0, d1) -> (0)>
module attributes {stable_mosaic.version = 14 : i64} {
  func.func @_combine(%arg0: i32, %arg1: i32, %arg2: memref<2560x768xf32, #tpu.memory_space<hbm>>, %arg3: memref<2048xi32, #tpu.memory_space<hbm>>, %arg4: memref<2048xf32, #tpu.memory_space<hbm>>, %arg5: memref<2048x768xf32, #tpu.memory_space<hbm>>, %arg6: memref<64xi32, #tpu.memory_space<vmem>>, %arg7: memref<64xf32, #tpu.memory_space<vmem>>, %arg8: memref<64x768xf32, #tpu.memory_space<vmem>>, %arg9: memref<!tpu.dma_semaphore, #tpu.memory_space<semaphore_mem>>) attributes {dimension_semantics = [#tpu.dimension_semantics<core_parallel>, #tpu.dimension_semantics<subcore_parallel>], iteration_bounds = array<i64: 2, 16>, scalar_prefetch = 0 : i64, scratch_operands = 4 : i64, tpu.core_type = #tpu.core_type<sc_vector_subcore>, window_params = [{transform_indices = #map}, {transform_indices = #map1}, {transform_indices = #map1}, {transform_indices = #map}]} {
    %mul3A = arith.constant 2 : i32
    %mul3A_0 = arith.muli %arg1, %mul3A : i32
    %add3A = arith.addi %mul3A_0, %arg0 : i32
    %mul3A_1 = arith.constant 64 : i32
    %mul3A_2 = arith.muli %add3A, %mul3A_1 : i32
    "tpu.region"() ({
      %run_scoped3A = tpu.sem_alloc : memref<!tpu.dma_semaphore, #tpu.memory_space<semaphore_mem>>
      %dma_start3A_12 = tpu.memref_slice %arg3[%mul3A_2] : memref<2048xi32, #tpu.memory_space<hbm>> -> memref<64xi32, #tpu.memory_space<hbm>>
      %dma_start3A_13 = tpu.memref_slice %arg3[%mul3A_2] : memref<2048xi32, #tpu.memory_space<hbm>> -> memref<64xi32, #tpu.memory_space<hbm>>
      tpu.enqueue_dma source(%dma_start3A_13 : memref<64xi32, #tpu.memory_space<hbm>>) target(%arg6 : memref<64xi32, #tpu.memory_space<vmem>>) target_semaphore(%run_scoped3A : memref<!tpu.dma_semaphore, #tpu.memory_space<semaphore_mem>>)
      %dma_wait3A_14 = tpu.memref_slice %arg3[%mul3A_2] : memref<2048xi32, #tpu.memory_space<hbm>> -> memref<64xi32, #tpu.memory_space<hbm>>
      %dma_wait3A_15 = tpu.memref_slice %arg3[%mul3A_2] : memref<2048xi32, #tpu.memory_space<hbm>> -> memref<64xi32, #tpu.memory_space<hbm>>
      tpu.wait_dma2 semaphore(%run_scoped3A : memref<!tpu.dma_semaphore, #tpu.memory_space<semaphore_mem>>) src(%dma_wait3A_15 : memref<64xi32, #tpu.memory_space<hbm>>) dst(%arg6 : memref<64xi32, #tpu.memory_space<vmem>>)
      tpu.yield
    }) : () -> ()
    "tpu.region"() ({
      %run_scoped3A = tpu.sem_alloc : memref<!tpu.dma_semaphore, #tpu.memory_space<semaphore_mem>>
      %dma_start3A_12 = tpu.memref_slice %arg4[%mul3A_2] : memref<2048xf32, #tpu.memory_space<hbm>> -> memref<64xf32, #tpu.memory_space<hbm>>
      %dma_start3A_13 = tpu.memref_slice %arg4[%mul3A_2] : memref<2048xf32, #tpu.memory_space<hbm>> -> memref<64xf32, #tpu.memory_space<hbm>>
      tpu.enqueue_dma source(%dma_start3A_13 : memref<64xf32, #tpu.memory_space<hbm>>) target(%arg7 : memref<64xf32, #tpu.memory_space<vmem>>) target_semaphore(%run_scoped3A : memref<!tpu.dma_semaphore, #tpu.memory_space<semaphore_mem>>)
      %dma_wait3A_14 = tpu.memref_slice %arg4[%mul3A_2] : memref<2048xf32, #tpu.memory_space<hbm>> -> memref<64xf32, #tpu.memory_space<hbm>>
      %dma_wait3A_15 = tpu.memref_slice %arg4[%mul3A_2] : memref<2048xf32, #tpu.memory_space<hbm>> -> memref<64xf32, #tpu.memory_space<hbm>>
      tpu.wait_dma2 semaphore(%run_scoped3A : memref<!tpu.dma_semaphore, #tpu.memory_space<semaphore_mem>>) src(%dma_wait3A_15 : memref<64xf32, #tpu.memory_space<hbm>>) dst(%arg7 : memref<64xf32, #tpu.memory_space<vmem>>)
      tpu.yield
    }) : () -> ()
    %dma_start3A = arith.constant 0 : i32
    %dma_start3A_3 = arith.constant 0 : i32
    %dma_start3A_4 = tpu.memref_slice %arg2[%dma_start3A, %dma_start3A_3] : memref<2560x768xf32, #tpu.memory_space<hbm>> -> memref<2560x768xf32, #tpu.memory_space<hbm>>
    tpu.enqueue_indirect_dma source(%dma_start3A_4 : memref<2560x768xf32, #tpu.memory_space<hbm>>) target(%arg8 : memref<64x768xf32, #tpu.memory_space<vmem>>) offsets(%arg6 : memref<64xi32, #tpu.memory_space<vmem>>) semaphore(%arg9 : memref<!tpu.dma_semaphore, #tpu.memory_space<semaphore_mem>>)
    %dma_wait3A = arith.constant 0 : i32
    %dma_wait3A_5 = arith.constant 0 : i32
    %dma_wait3A_6 = tpu.memref_slice %arg2[%dma_wait3A, %dma_wait3A_5] : memref<2560x768xf32, #tpu.memory_space<hbm>> -> memref<2560x768xf32, #tpu.memory_space<hbm>>
    tpu.wait_indirect_dma semaphore(%arg9 : memref<!tpu.dma_semaphore, #tpu.memory_space<semaphore_mem>>) src(%dma_wait3A_6 : memref<2560x768xf32, #tpu.memory_space<hbm>>) dst(%arg8 : memref<64x768xf32, #tpu.memory_space<vmem>>)
    %scan3A = arith.constant 0 : i32
    %scan3A_7 = arith.constant 0 : i32
    %scan3A_8 = arith.constant 64 : i32
    %scan3A_9 = arith.addi %scan3A_7, %scan3A_8 : i32
    %scan3A_10 = arith.constant 1 : i32
    scf.for %scan3A_12 = %scan3A_7 to %scan3A_9 step %scan3A_10  : i32 {
      %jit3A = arith.constant 16 : i32
      %div3A = arith.divsi %scan3A_12, %jit3A : i32
      %sign3A = arith.constant 0 : i32
      %sign3A_13 = arith.cmpi sgt, %scan3A_12, %sign3A : i32
      %sign3A_14 = arith.extui %sign3A_13 : i1 to i32
      %sign3A_15 = arith.constant 0 : i32
      %sign3A_16 = arith.cmpi slt, %scan3A_12, %sign3A_15 : i32
      %sign3A_17 = arith.extui %sign3A_16 : i1 to i32
      %sign3A_18 = arith.subi %sign3A_14, %sign3A_17 : i32
      %sign3A_19 = arith.constant 0 : i32
      %sign3A_20 = arith.cmpi sgt, %jit3A, %sign3A_19 : i32
      %sign3A_21 = arith.extui %sign3A_20 : i1 to i32
      %sign3A_22 = arith.constant 0 : i32
      %sign3A_23 = arith.cmpi slt, %jit3A, %sign3A_22 : i32
      %sign3A_24 = arith.extui %sign3A_23 : i1 to i32
      %sign3A_25 = arith.subi %sign3A_21, %sign3A_24 : i32
      %ne3A = arith.cmpi ne, %sign3A_18, %sign3A_25 : i32
      %rem3A = arith.remsi %scan3A_12, %jit3A : i32
      %ne3A_26 = arith.constant 0 : i32
      %ne3A_27 = arith.cmpi ne, %rem3A, %ne3A_26 : i32
      %and3A = arith.andi %ne3A, %ne3A_27 : i1
      %sub3A = arith.constant 1 : i32
      %sub3A_28 = arith.subi %div3A, %sub3A : i32
      %select_n3A = arith.select %and3A, %sub3A_28, %div3A : i32
      %mul3A_29 = arith.constant 16 : i32
      %mul3A_30 = arith.muli %select_n3A, %mul3A_29 : i32
      %get3A = arith.index_cast %mul3A_30 : i32 to index
      %get3A_31 = tpu.vector_load %arg7[%get3A] {strides = array<i32>} : memref<64xf32, #tpu.memory_space<vmem>>, vector<16xf32>,
      %get3A_32 = vector.shape_cast %get3A_31 : vector<16xf32> to vector<16xf32>
      %jit3A_33 = arith.constant 16 : i32
      %eq3A = arith.constant 0 : i32
      %eq3A_34 = arith.cmpi eq, %jit3A_33, %eq3A : i32
      %jit3A_35 = arith.constant 1 : i32
      %select_n3A_36 = arith.select %eq3A_34, %jit3A_35, %jit3A_33 : i32
      %rem3A_37 = arith.remsi %scan3A_12, %select_n3A_36 : i32
      %ne3A_38 = arith.constant 0 : i32
      %ne3A_39 = arith.cmpi ne, %rem3A_37, %ne3A_38 : i32
      %lt3A = arith.constant 0 : i32
      %lt3A_40 = arith.cmpi slt, %rem3A_37, %lt3A : i32
      %lt3A_41 = arith.constant 0 : i32
      %lt3A_42 = arith.cmpi slt, %select_n3A_36, %lt3A_41 : i32
      %ne3A_43 = arith.xori %lt3A_40, %lt3A_42 : i1
      %and3A_44 = arith.andi %ne3A_43, %ne3A_39 : i1
      %add3A_45 = arith.addi %rem3A_37, %select_n3A_36 : i32
      %select_n3A_46 = arith.select %and3A_44, %add3A_45, %rem3A_37 : i32
      %broadcast_in_dim3A = vector.broadcast %select_n3A_46 : i32 to vector<16x1xi32>
      %gather3A = vector.shape_cast %broadcast_in_dim3A : vector<16x1xi32> to vector<16xi32>
      %gather3A_47 = tpu.dynamic_gather %get3A_32[%gather3A] in [0] : vector<16xf32>, vector<16xi32> -> vector<16xf32>
      %get3A_48 = arith.index_cast %scan3A_12 : i32 to index
      %get3A_49 = arith.constant 0 : index
      %get3A_50 = tpu.vector_load %arg8[%get3A_48, %get3A_49] {strides = array<i32>} : memref<64x768xf32, #tpu.memory_space<vmem>>, vector<1x16xf32>,
      %get3A_51 = vector.shape_cast %get3A_50 : vector<1x16xf32> to vector<16xf32>
      %mul3A_52 = arith.mulf %get3A_51, %gather3A_47 : vector<16xf32>
      %swap3A = arith.index_cast %scan3A_12 : i32 to index
      %swap3A_53 = arith.constant 0 : index
      %swap3A_54 = tpu.vector_load %arg8[%swap3A, %swap3A_53] {strides = array<i32>} : memref<64x768xf32, #tpu.memory_space<vmem>>, vector<1x16xf32>,
      %swap3A_55 = vector.shape_cast %swap3A_54 : vector<1x16xf32> to vector<16xf32>
      %swap3A_56 = vector.shape_cast %mul3A_52 : vector<16xf32> to vector<1x16xf32>
      tpu.vector_store %arg8[%swap3A, %swap3A_53], %swap3A_56 {strides = array<i32>} : memref<64x768xf32, #tpu.memory_space<vmem>>, vector<1x16xf32>,
      %get3A_57 = arith.index_cast %scan3A_12 : i32 to index
      %get3A_58 = arith.constant 16 : index
      %get3A_59 = tpu.vector_load %arg8[%get3A_57, %get3A_58] {strides = array<i32>} : memref<64x768xf32, #tpu.memory_space<vmem>>, vector<1x16xf32>,
      %get3A_60 = vector.shape_cast %get3A_59 : vector<1x16xf32> to vector<16xf32>
      %mul3A_61 = arith.mulf %get3A_60, %gather3A_47 : vector<16xf32>
      %swap3A_62 = arith.index_cast %scan3A_12 : i32 to index
      %swap3A_63 = arith.constant 16 : index
      %swap3A_64 = tpu.vector_load %arg8[%swap3A_62, %swap3A_63] {strides = array<i32>} : memref<64x768xf32, #tpu.memory_space<vmem>>, vector<1x16xf32>,
      %swap3A_65 = vector.shape_cast %swap3A_64 : vector<1x16xf32> to vector<16xf32>
      %swap3A_66 = vector.shape_cast %mul3A_61 : vector<16xf32> to vector<1x16xf32>
      tpu.vector_store %arg8[%swap3A_62, %swap3A_63], %swap3A_66 {strides = array<i32>} : memref<64x768xf32, #tpu.memory_space<vmem>>, vector<1x16xf32>,
      %get3A_67 = arith.index_cast %scan3A_12 : i32 to index
      %get3A_68 = arith.constant 32 : index
      %get3A_69 = tpu.vector_load %arg8[%get3A_67, %get3A_68] {strides = array<i32>} : memref<64x768xf32, #tpu.memory_space<vmem>>, vector<1x16xf32>,
      %get3A_70 = vector.shape_cast %get3A_69 : vector<1x16xf32> to vector<16xf32>
      %mul3A_71 = arith.mulf %get3A_70, %gather3A_47 : vector<16xf32>
      %swap3A_72 = arith.index_cast %scan3A_12 : i32 to index
      %swap3A_73 = arith.constant 32 : index
      %swap3A_74 = tpu.vector_load %arg8[%swap3A_72, %swap3A_73] {strides = array<i32>} : memref<64x768xf32, #tpu.memory_space<vmem>>, vector<1x16xf32>,
      %swap3A_75 = vector.shape_cast %swap3A_74 : vector<1x16xf32> to vector<16xf32>
      %swap3A_76 = vector.shape_cast %mul3A_71 : vector<16xf32> to vector<1x16xf32>
      tpu.vector_store %arg8[%swap3A_72, %swap3A_73], %swap3A_76 {strides = array<i32>} : memref<64x768xf32, #tpu.memory_space<vmem>>, vector<1x16xf32>,
      %get3A_77 = arith.index_cast %scan3A_12 : i32 to index
      %get3A_78 = arith.constant 48 : index
      %get3A_79 = tpu.vector_load %arg8[%get3A_77, %get3A_78] {strides = array<i32>} : memref<64x768xf32, #tpu.memory_space<vmem>>, vector<1x16xf32>,
      %get3A_80 = vector.shape_cast %get3A_79 : vector<1x16xf32> to vector<16xf32>
      %mul3A_81 = arith.mulf %get3A_80, %gather3A_47 : vector<16xf32>
      %swap3A_82 = arith.index_cast %scan3A_12 : i32 to index
      %swap3A_83 = arith.constant 48 : index
      %swap3A_84 = tpu.vector_load %arg8[%swap3A_82, %swap3A_83] {strides = array<i32>} : memref<64x768xf32, #tpu.memory_space<vmem>>, vector<1x16xf32>,
      %swap3A_85 = vector.shape_cast %swap3A_84 : vector<1x16xf32> to vector<16xf32>
      %swap3A_86 = vector.shape_cast %mul3A_81 : vector<16xf32> to vector<1x16xf32>
      tpu.vector_store %arg8[%swap3A_82, %swap3A_83], %swap3A_86 {strides = array<i32>} : memref<64x768xf32, #tpu.memory_space<vmem>>, vector<1x16xf32>,
      %get3A_87 = arith.index_cast %scan3A_12 : i32 to index
      %get3A_88 = arith.constant 64 : index
      %get3A_89 = tpu.vector_load %arg8[%get3A_87, %get3A_88] {strides = array<i32>} : memref<64x768xf32, #tpu.memory_space<vmem>>, vector<1x16xf32>,
      %get3A_90 = vector.shape_cast %get3A_89 : vector<1x16xf32> to vector<16xf32>
      %mul3A_91 = arith.mulf %get3A_90, %gather3A_47 : vector<16xf32>
      %swap3A_92 = arith.index_cast %scan3A_12 : i32 to index
      %swap3A_93 = arith.constant 64 : index
      %swap3A_94 = tpu.vector_load %arg8[%swap3A_92, %swap3A_93] {strides = array<i32>} : memref<64x768xf32, #tpu.memory_space<vmem>>, vector<1x16xf32>,
      %swap3A_95 = vector.shape_cast %swap3A_94 : vector<1x16xf32> to vector<16xf32>
      %swap3A_96 = vector.shape_cast %mul3A_91 : vector<16xf32> to vector<1x16xf32>
      tpu.vector_store %arg8[%swap3A_92, %swap3A_93], %swap3A_96 {strides = array<i32>} : memref<64x768xf32, #tpu.memory_space<vmem>>, vector<1x16xf32>,
      %get3A_97 = arith.index_cast %scan3A_12 : i32 to index
      %get3A_98 = arith.constant 80 : index
      %get3A_99 = tpu.vector_load %arg8[%get3A_97, %get3A_98] {strides = array<i32>} : memref<64x768xf32, #tpu.memory_space<vmem>>, vector<1x16xf32>,
      %get3A_100 = vector.shape_cast %get3A_99 : vector<1x16xf32> to vector<16xf32>
      %mul3A_101 = arith.mulf %get3A_100, %gather3A_47 : vector<16xf32>
      %swap3A_102 = arith.index_cast %scan3A_12 : i32 to index
      %swap3A_103 = arith.constant 80 : index
      %swap3A_104 = tpu.vector_load %arg8[%swap3A_102, %swap3A_103] {strides = array<i32>} : memref<64x768xf32, #tpu.memory_space<vmem>>, vector<1x16xf32>,
      %swap3A_105 = vector.shape_cast %swap3A_104 : vector<1x16xf32> to vector<16xf32>
      %swap3A_106 = vector.shape_cast %mul3A_101 : vector<16xf32> to vector<1x16xf32>
      tpu.vector_store %arg8[%swap3A_102, %swap3A_103], %swap3A_106 {strides = array<i32>} : memref<64x768xf32, #tpu.memory_space<vmem>>, vector<1x16xf32>,
      %get3A_107 = arith.index_cast %scan3A_12 : i32 to index
      %get3A_108 = arith.constant 96 : index
      %get3A_109 = tpu.vector_load %arg8[%get3A_107, %get3A_108] {strides = array<i32>} : memref<64x768xf32, #tpu.memory_space<vmem>>, vector<1x16xf32>,
      %get3A_110 = vector.shape_cast %get3A_109 : vector<1x16xf32> to vector<16xf32>
      %mul3A_111 = arith.mulf %get3A_110, %gather3A_47 : vector<16xf32>
      %swap3A_112 = arith.index_cast %scan3A_12 : i32 to index
      %swap3A_113 = arith.constant 96 : index
      %swap3A_114 = tpu.vector_load %arg8[%swap3A_112, %swap3A_113] {strides = array<i32>} : memref<64x768xf32, #tpu.memory_space<vmem>>, vector<1x16xf32>,
      %swap3A_115 = vector.shape_cast %swap3A_114 : vector<1x16xf32> to vector<16xf32>
      %swap3A_116 = vector.shape_cast %mul3A_111 : vector<16xf32> to vector<1x16xf32>
      tpu.vector_store %arg8[%swap3A_112, %swap3A_113], %swap3A_116 {strides = array<i32>} : memref<64x768xf32, #tpu.memory_space<vmem>>, vector<1x16xf32>,
      %get3A_117 = arith.index_cast %scan3A_12 : i32 to index
      %get3A_118 = arith.constant 112 : index
      %get3A_119 = tpu.vector_load %arg8[%get3A_117, %get3A_118] {strides = array<i32>} : memref<64x768xf32, #tpu.memory_space<vmem>>, vector<1x16xf32>,
      %get3A_120 = vector.shape_cast %get3A_119 : vector<1x16xf32> to vector<16xf32>
      %mul3A_121 = arith.mulf %get3A_120, %gather3A_47 : vector<16xf32>
      %swap3A_122 = arith.index_cast %scan3A_12 : i32 to index
      %swap3A_123 = arith.constant 112 : index
      %swap3A_124 = tpu.vector_load %arg8[%swap3A_122, %swap3A_123] {strides = array<i32>} : memref<64x768xf32, #tpu.memory_space<vmem>>, vector<1x16xf32>,
      %swap3A_125 = vector.shape_cast %swap3A_124 : vector<1x16xf32> to vector<16xf32>
      %swap3A_126 = vector.shape_cast %mul3A_121 : vector<16xf32> to vector<1x16xf32>
      tpu.vector_store %arg8[%swap3A_122, %swap3A_123], %swap3A_126 {strides = array<i32>} : memref<64x768xf32, #tpu.memory_space<vmem>>, vector<1x16xf32>,
      %get3A_127 = arith.index_cast %scan3A_12 : i32 to index
      %get3A_128 = arith.constant 128 : index
      %get3A_129 = tpu.vector_load %arg8[%get3A_127, %get3A_128] {strides = array<i32>} : memref<64x768xf32, #tpu.memory_space<vmem>>, vector<1x16xf32>,
      %get3A_130 = vector.shape_cast %get3A_129 : vector<1x16xf32> to vector<16xf32>
      %mul3A_131 = arith.mulf %get3A_130, %gather3A_47 : vector<16xf32>
      %swap3A_132 = arith.index_cast %scan3A_12 : i32 to index
      %swap3A_133 = arith.constant 128 : index
      %swap3A_134 = tpu.vector_load %arg8[%swap3A_132, %swap3A_133] {strides = array<i32>} : memref<64x768xf32, #tpu.memory_space<vmem>>, vector<1x16xf32>,
      %swap3A_135 = vector.shape_cast %swap3A_134 : vector<1x16xf32> to vector<16xf32>
      %swap3A_136 = vector.shape_cast %mul3A_131 : vector<16xf32> to vector<1x16xf32>
      tpu.vector_store %arg8[%swap3A_132, %swap3A_133], %swap3A_136 {strides = array<i32>} : memref<64x768xf32, #tpu.memory_space<vmem>>, vector<1x16xf32>,
      %get3A_137 = arith.index_cast %scan3A_12 : i32 to index
      %get3A_138 = arith.constant 144 : index
      %get3A_139 = tpu.vector_load %arg8[%get3A_137, %get3A_138] {strides = array<i32>} : memref<64x768xf32, #tpu.memory_space<vmem>>, vector<1x16xf32>,
      %get3A_140 = vector.shape_cast %get3A_139 : vector<1x16xf32> to vector<16xf32>
      %mul3A_141 = arith.mulf %get3A_140, %gather3A_47 : vector<16xf32>
      %swap3A_142 = arith.index_cast %scan3A_12 : i32 to index
      %swap3A_143 = arith.constant 144 : index
      %swap3A_144 = tpu.vector_load %arg8[%swap3A_142, %swap3A_143] {strides = array<i32>} : memref<64x768xf32, #tpu.memory_space<vmem>>, vector<1x16xf32>,
      %swap3A_145 = vector.shape_cast %swap3A_144 : vector<1x16xf32> to vector<16xf32>
      %swap3A_146 = vector.shape_cast %mul3A_141 : vector<16xf32> to vector<1x16xf32>
      tpu.vector_store %arg8[%swap3A_142, %swap3A_143], %swap3A_146 {strides = array<i32>} : memref<64x768xf32, #tpu.memory_space<vmem>>, vector<1x16xf32>,
      %get3A_147 = arith.index_cast %scan3A_12 : i32 to index
      %get3A_148 = arith.constant 160 : index
      %get3A_149 = tpu.vector_load %arg8[%get3A_147, %get3A_148] {strides = array<i32>} : memref<64x768xf32, #tpu.memory_space<vmem>>, vector<1x16xf32>,
      %get3A_150 = vector.shape_cast %get3A_149 : vector<1x16xf32> to vector<16xf32>
      %mul3A_151 = arith.mulf %get3A_150, %gather3A_47 : vector<16xf32>
      %swap3A_152 = arith.index_cast %scan3A_12 : i32 to index
      %swap3A_153 = arith.constant 160 : index
      %swap3A_154 = tpu.vector_load %arg8[%swap3A_152, %swap3A_153] {strides = array<i32>} : memref<64x768xf32, #tpu.memory_space<vmem>>, vector<1x16xf32>,
      %swap3A_155 = vector.shape_cast %swap3A_154 : vector<1x16xf32> to vector<16xf32>
      %swap3A_156 = vector.shape_cast %mul3A_151 : vector<16xf32> to vector<1x16xf32>
      tpu.vector_store %arg8[%swap3A_152, %swap3A_153], %swap3A_156 {strides = array<i32>} : memref<64x768xf32, #tpu.memory_space<vmem>>, vector<1x16xf32>,
      %get3A_157 = arith.index_cast %scan3A_12 : i32 to index
      %get3A_158 = arith.constant 176 : index
      %get3A_159 = tpu.vector_load %arg8[%get3A_157, %get3A_158] {strides = array<i32>} : memref<64x768xf32, #tpu.memory_space<vmem>>, vector<1x16xf32>,
      %get3A_160 = vector.shape_cast %get3A_159 : vector<1x16xf32> to vector<16xf32>
      %mul3A_161 = arith.mulf %get3A_160, %gather3A_47 : vector<16xf32>
      %swap3A_162 = arith.index_cast %scan3A_12 : i32 to index
      %swap3A_163 = arith.constant 176 : index
      %swap3A_164 = tpu.vector_load %arg8[%swap3A_162, %swap3A_163] {strides = array<i32>} : memref<64x768xf32, #tpu.memory_space<vmem>>, vector<1x16xf32>,
      %swap3A_165 = vector.shape_cast %swap3A_164 : vector<1x16xf32> to vector<16xf32>
      %swap3A_166 = vector.shape_cast %mul3A_161 : vector<16xf32> to vector<1x16xf32>
      tpu.vector_store %arg8[%swap3A_162, %swap3A_163], %swap3A_166 {strides = array<i32>} : memref<64x768xf32, #tpu.memory_space<vmem>>, vector<1x16xf32>,
      %get3A_167 = arith.index_cast %scan3A_12 : i32 to index
      %get3A_168 = arith.constant 192 : index
      %get3A_169 = tpu.vector_load %arg8[%get3A_167, %get3A_168] {strides = array<i32>} : memref<64x768xf32, #tpu.memory_space<vmem>>, vector<1x16xf32>,
      %get3A_170 = vector.shape_cast %get3A_169 : vector<1x16xf32> to vector<16xf32>
      %mul3A_171 = arith.mulf %get3A_170, %gather3A_47 : vector<16xf32>
      %swap3A_172 = arith.index_cast %scan3A_12 : i32 to index
      %swap3A_173 = arith.constant 192 : index
      %swap3A_174 = tpu.vector_load %arg8[%swap3A_172, %swap3A_173] {strides = array<i32>} : memref<64x768xf32, #tpu.memory_space<vmem>>, vector<1x16xf32>,
      %swap3A_175 = vector.shape_cast %swap3A_174 : vector<1x16xf32> to vector<16xf32>
      %swap3A_176 = vector.shape_cast %mul3A_171 : vector<16xf32> to vector<1x16xf32>
      tpu.vector_store %arg8[%swap3A_172, %swap3A_173], %swap3A_176 {strides = array<i32>} : memref<64x768xf32, #tpu.memory_space<vmem>>, vector<1x16xf32>,
      %get3A_177 = arith.index_cast %scan3A_12 : i32 to index
      %get3A_178 = arith.constant 208 : index
      %get3A_179 = tpu.vector_load %arg8[%get3A_177, %get3A_178] {strides = array<i32>} : memref<64x768xf32, #tpu.memory_space<vmem>>, vector<1x16xf32>,
      %get3A_180 = vector.shape_cast %get3A_179 : vector<1x16xf32> to vector<16xf32>
      %mul3A_181 = arith.mulf %get3A_180, %gather3A_47 : vector<16xf32>
      %swap3A_182 = arith.index_cast %scan3A_12 : i32 to index
      %swap3A_183 = arith.constant 208 : index
      %swap3A_184 = tpu.vector_load %arg8[%swap3A_182, %swap3A_183] {strides = array<i32>} : memref<64x768xf32, #tpu.memory_space<vmem>>, vector<1x16xf32>,
      %swap3A_185 = vector.shape_cast %swap3A_184 : vector<1x16xf32> to vector<16xf32>
      %swap3A_186 = vector.shape_cast %mul3A_181 : vector<16xf32> to vector<1x16xf32>
      tpu.vector_store %arg8[%swap3A_182, %swap3A_183], %swap3A_186 {strides = array<i32>} : memref<64x768xf32, #tpu.memory_space<vmem>>, vector<1x16xf32>,
      %get3A_187 = arith.index_cast %scan3A_12 : i32 to index
      %get3A_188 = arith.constant 224 : index
      %get3A_189 = tpu.vector_load %arg8[%get3A_187, %get3A_188] {strides = array<i32>} : memref<64x768xf32, #tpu.memory_space<vmem>>, vector<1x16xf32>,
      %get3A_190 = vector.shape_cast %get3A_189 : vector<1x16xf32> to vector<16xf32>
      %mul3A_191 = arith.mulf %get3A_190, %gather3A_47 : vector<16xf32>
      %swap3A_192 = arith.index_cast %scan3A_12 : i32 to index
      %swap3A_193 = arith.constant 224 : index
      %swap3A_194 = tpu.vector_load %arg8[%swap3A_192, %swap3A_193] {strides = array<i32>} : memref<64x768xf32, #tpu.memory_space<vmem>>, vector<1x16xf32>,
      %swap3A_195 = vector.shape_cast %swap3A_194 : vector<1x16xf32> to vector<16xf32>
      %swap3A_196 = vector.shape_cast %mul3A_191 : vector<16xf32> to vector<1x16xf32>
      tpu.vector_store %arg8[%swap3A_192, %swap3A_193], %swap3A_196 {strides = array<i32>} : memref<64x768xf32, #tpu.memory_space<vmem>>, vector<1x16xf32>,
      %get3A_197 = arith.index_cast %scan3A_12 : i32 to index
      %get3A_198 = arith.constant 240 : index
      %get3A_199 = tpu.vector_load %arg8[%get3A_197, %get3A_198] {strides = array<i32>} : memref<64x768xf32, #tpu.memory_space<vmem>>, vector<1x16xf32>,
      %get3A_200 = vector.shape_cast %get3A_199 : vector<1x16xf32> to vector<16xf32>
      %mul3A_201 = arith.mulf %get3A_200, %gather3A_47 : vector<16xf32>
      %swap3A_202 = arith.index_cast %scan3A_12 : i32 to index
      %swap3A_203 = arith.constant 240 : index
      %swap3A_204 = tpu.vector_load %arg8[%swap3A_202, %swap3A_203] {strides = array<i32>} : memref<64x768xf32, #tpu.memory_space<vmem>>, vector<1x16xf32>,
      %swap3A_205 = vector.shape_cast %swap3A_204 : vector<1x16xf32> to vector<16xf32>
      %swap3A_206 = vector.shape_cast %mul3A_201 : vector<16xf32> to vector<1x16xf32>
      tpu.vector_store %arg8[%swap3A_202, %swap3A_203], %swap3A_206 {strides = array<i32>} : memref<64x768xf32, #tpu.memory_space<vmem>>, vector<1x16xf32>,
      %get3A_207 = arith.index_cast %scan3A_12 : i32 to index
      %get3A_208 = arith.constant 256 : index
      %get3A_209 = tpu.vector_load %arg8[%get3A_207, %get3A_208] {strides = array<i32>} : memref<64x768xf32, #tpu.memory_space<vmem>>, vector<1x16xf32>,
      %get3A_210 = vector.shape_cast %get3A_209 : vector<1x16xf32> to vector<16xf32>
      %mul3A_211 = arith.mulf %get3A_210, %gather3A_47 : vector<16xf32>
      %swap3A_212 = arith.index_cast %scan3A_12 : i32 to index
      %swap3A_213 = arith.constant 256 : index
      %swap3A_214 = tpu.vector_load %arg8[%swap3A_212, %swap3A_213] {strides = array<i32>} : memref<64x768xf32, #tpu.memory_space<vmem>>, vector<1x16xf32>,
      %swap3A_215 = vector.shape_cast %swap3A_214 : vector<1x16xf32> to vector<16xf32>
      %swap3A_216 = vector.shape_cast %mul3A_211 : vector<16xf32> to vector<1x16xf32>
      tpu.vector_store %arg8[%swap3A_212, %swap3A_213], %swap3A_216 {strides = array<i32>} : memref<64x768xf32, #tpu.memory_space<vmem>>, vector<1x16xf32>,
      %get3A_217 = arith.index_cast %scan3A_12 : i32 to index
      %get3A_218 = arith.constant 272 : index
      %get3A_219 = tpu.vector_load %arg8[%get3A_217, %get3A_218] {strides = array<i32>} : memref<64x768xf32, #tpu.memory_space<vmem>>, vector<1x16xf32>,
      %get3A_220 = vector.shape_cast %get3A_219 : vector<1x16xf32> to vector<16xf32>
      %mul3A_221 = arith.mulf %get3A_220, %gather3A_47 : vector<16xf32>
      %swap3A_222 = arith.index_cast %scan3A_12 : i32 to index
      %swap3A_223 = arith.constant 272 : index
      %swap3A_224 = tpu.vector_load %arg8[%swap3A_222, %swap3A_223] {strides = array<i32>} : memref<64x768xf32, #tpu.memory_space<vmem>>, vector<1x16xf32>,
      %swap3A_225 = vector.shape_cast %swap3A_224 : vector<1x16xf32> to vector<16xf32>
      %swap3A_226 = vector.shape_cast %mul3A_221 : vector<16xf32> to vector<1x16xf32>
      tpu.vector_store %arg8[%swap3A_222, %swap3A_223], %swap3A_226 {strides = array<i32>} : memref<64x768xf32, #tpu.memory_space<vmem>>, vector<1x16xf32>,
      %get3A_227 = arith.index_cast %scan3A_12 : i32 to index
      %get3A_228 = arith.constant 288 : index
      %get3A_229 = tpu.vector_load %arg8[%get3A_227, %get3A_228] {strides = array<i32>} : memref<64x768xf32, #tpu.memory_space<vmem>>, vector<1x16xf32>,
      %get3A_230 = vector.shape_cast %get3A_229 : vector<1x16xf32> to vector<16xf32>
      %mul3A_231 = arith.mulf %get3A_230, %gather3A_47 : vector<16xf32>
      %swap3A_232 = arith.index_cast %scan3A_12 : i32 to index
      %swap3A_233 = arith.constant 288 : index
      %swap3A_234 = tpu.vector_load %arg8[%swap3A_232, %swap3A_233] {strides = array<i32>} : memref<64x768xf32, #tpu.memory_space<vmem>>, vector<1x16xf32>,
      %swap3A_235 = vector.shape_cast %swap3A_234 : vector<1x16xf32> to vector<16xf32>
      %swap3A_236 = vector.shape_cast %mul3A_231 : vector<16xf32> to vector<1x16xf32>
      tpu.vector_store %arg8[%swap3A_232, %swap3A_233], %swap3A_236 {strides = array<i32>} : memref<64x768xf32, #tpu.memory_space<vmem>>, vector<1x16xf32>,
      %get3A_237 = arith.index_cast %scan3A_12 : i32 to index
      %get3A_238 = arith.constant 304 : index
      %get3A_239 = tpu.vector_load %arg8[%get3A_237, %get3A_238] {strides = array<i32>} : memref<64x768xf32, #tpu.memory_space<vmem>>, vector<1x16xf32>,
      %get3A_240 = vector.shape_cast %get3A_239 : vector<1x16xf32> to vector<16xf32>
      %mul3A_241 = arith.mulf %get3A_240, %gather3A_47 : vector<16xf32>
      %swap3A_242 = arith.index_cast %scan3A_12 : i32 to index
      %swap3A_243 = arith.constant 304 : index
      %swap3A_244 = tpu.vector_load %arg8[%swap3A_242, %swap3A_243] {strides = array<i32>} : memref<64x768xf32, #tpu.memory_space<vmem>>, vector<1x16xf32>,
      %swap3A_245 = vector.shape_cast %swap3A_244 : vector<1x16xf32> to vector<16xf32>
      %swap3A_246 = vector.shape_cast %mul3A_241 : vector<16xf32> to vector<1x16xf32>
      tpu.vector_store %arg8[%swap3A_242, %swap3A_243], %swap3A_246 {strides = array<i32>} : memref<64x768xf32, #tpu.memory_space<vmem>>, vector<1x16xf32>,
      %get3A_247 = arith.index_cast %scan3A_12 : i32 to index
      %get3A_248 = arith.constant 320 : index
      %get3A_249 = tpu.vector_load %arg8[%get3A_247, %get3A_248] {strides = array<i32>} : memref<64x768xf32, #tpu.memory_space<vmem>>, vector<1x16xf32>,
      %get3A_250 = vector.shape_cast %get3A_249 : vector<1x16xf32> to vector<16xf32>
      %mul3A_251 = arith.mulf %get3A_250, %gather3A_47 : vector<16xf32>
      %swap3A_252 = arith.index_cast %scan3A_12 : i32 to index
      %swap3A_253 = arith.constant 320 : index
      %swap3A_254 = tpu.vector_load %arg8[%swap3A_252, %swap3A_253] {strides = array<i32>} : memref<64x768xf32, #tpu.memory_space<vmem>>, vector<1x16xf32>,
      %swap3A_255 = vector.shape_cast %swap3A_254 : vector<1x16xf32> to vector<16xf32>
      %swap3A_256 = vector.shape_cast %mul3A_251 : vector<16xf32> to vector<1x16xf32>
      tpu.vector_store %arg8[%swap3A_252, %swap3A_253], %swap3A_256 {strides = array<i32>} : memref<64x768xf32, #tpu.memory_space<vmem>>, vector<1x16xf32>,
      %get3A_257 = arith.index_cast %scan3A_12 : i32 to index
      %get3A_258 = arith.constant 336 : index
      %get3A_259 = tpu.vector_load %arg8[%get3A_257, %get3A_258] {strides = array<i32>} : memref<64x768xf32, #tpu.memory_space<vmem>>, vector<1x16xf32>,
      %get3A_260 = vector.shape_cast %get3A_259 : vector<1x16xf32> to vector<16xf32>
      %mul3A_261 = arith.mulf %get3A_260, %gather3A_47 : vector<16xf32>
      %swap3A_262 = arith.index_cast %scan3A_12 : i32 to index
      %swap3A_263 = arith.constant 336 : index
      %swap3A_264 = tpu.vector_load %arg8[%swap3A_262, %swap3A_263] {strides = array<i32>} : memref<64x768xf32, #tpu.memory_space<vmem>>, vector<1x16xf32>,
      %swap3A_265 = vector.shape_cast %swap3A_264 : vector<1x16xf32> to vector<16xf32>
      %swap3A_266 = vector.shape_cast %mul3A_261 : vector<16xf32> to vector<1x16xf32>
      tpu.vector_store %arg8[%swap3A_262, %swap3A_263], %swap3A_266 {strides = array<i32>} : memref<64x768xf32, #tpu.memory_space<vmem>>, vector<1x16xf32>,
      %get3A_267 = arith.index_cast %scan3A_12 : i32 to index
      %get3A_268 = arith.constant 352 : index
      %get3A_269 = tpu.vector_load %arg8[%get3A_267, %get3A_268] {strides = array<i32>} : memref<64x768xf32, #tpu.memory_space<vmem>>, vector<1x16xf32>,
      %get3A_270 = vector.shape_cast %get3A_269 : vector<1x16xf32> to vector<16xf32>
      %mul3A_271 = arith.mulf %get3A_270, %gather3A_47 : vector<16xf32>
      %swap3A_272 = arith.index_cast %scan3A_12 : i32 to index
      %swap3A_273 = arith.constant 352 : index
      %swap3A_274 = tpu.vector_load %arg8[%swap3A_272, %swap3A_273] {strides = array<i32>} : memref<64x768xf32, #tpu.memory_space<vmem>>, vector<1x16xf32>,
      %swap3A_275 = vector.shape_cast %swap3A_274 : vector<1x16xf32> to vector<16xf32>
      %swap3A_276 = vector.shape_cast %mul3A_271 : vector<16xf32> to vector<1x16xf32>
      tpu.vector_store %arg8[%swap3A_272, %swap3A_273], %swap3A_276 {strides = array<i32>} : memref<64x768xf32, #tpu.memory_space<vmem>>, vector<1x16xf32>,
      %get3A_277 = arith.index_cast %scan3A_12 : i32 to index
      %get3A_278 = arith.constant 368 : index
      %get3A_279 = tpu.vector_load %arg8[%get3A_277, %get3A_278] {strides = array<i32>} : memref<64x768xf32, #tpu.memory_space<vmem>>, vector<1x16xf32>,
      %get3A_280 = vector.shape_cast %get3A_279 : vector<1x16xf32> to vector<16xf32>
      %mul3A_281 = arith.mulf %get3A_280, %gather3A_47 : vector<16xf32>
      %swap3A_282 = arith.index_cast %scan3A_12 : i32 to index
      %swap3A_283 = arith.constant 368 : index
      %swap3A_284 = tpu.vector_load %arg8[%swap3A_282, %swap3A_283] {strides = array<i32>} : memref<64x768xf32, #tpu.memory_space<vmem>>, vector<1x16xf32>,
      %swap3A_285 = vector.shape_cast %swap3A_284 : vector<1x16xf32> to vector<16xf32>
      %swap3A_286 = vector.shape_cast %mul3A_281 : vector<16xf32> to vector<1x16xf32>
      tpu.vector_store %arg8[%swap3A_282, %swap3A_283], %swap3A_286 {strides = array<i32>} : memref<64x768xf32, #tpu.memory_space<vmem>>, vector<1x16xf32>,
      %get3A_287 = arith.index_cast %scan3A_12 : i32 to index
      %get3A_288 = arith.constant 384 : index
      %get3A_289 = tpu.vector_load %arg8[%get3A_287, %get3A_288] {strides = array<i32>} : memref<64x768xf32, #tpu.memory_space<vmem>>, vector<1x16xf32>,
      %get3A_290 = vector.shape_cast %get3A_289 : vector<1x16xf32> to vector<16xf32>
      %mul3A_291 = arith.mulf %get3A_290, %gather3A_47 : vector<16xf32>
      %swap3A_292 = arith.index_cast %scan3A_12 : i32 to index
      %swap3A_293 = arith.constant 384 : index
      %swap3A_294 = tpu.vector_load %arg8[%swap3A_292, %swap3A_293] {strides = array<i32>} : memref<64x768xf32, #tpu.memory_space<vmem>>, vector<1x16xf32>,
      %swap3A_295 = vector.shape_cast %swap3A_294 : vector<1x16xf32> to vector<16xf32>
      %swap3A_296 = vector.shape_cast %mul3A_291 : vector<16xf32> to vector<1x16xf32>
      tpu.vector_store %arg8[%swap3A_292, %swap3A_293], %swap3A_296 {strides = array<i32>} : memref<64x768xf32, #tpu.memory_space<vmem>>, vector<1x16xf32>,
      %get3A_297 = arith.index_cast %scan3A_12 : i32 to index
      %get3A_298 = arith.constant 400 : index
      %get3A_299 = tpu.vector_load %arg8[%get3A_297, %get3A_298] {strides = array<i32>} : memref<64x768xf32, #tpu.memory_space<vmem>>, vector<1x16xf32>,
      %get3A_300 = vector.shape_cast %get3A_299 : vector<1x16xf32> to vector<16xf32>
      %mul3A_301 = arith.mulf %get3A_300, %gather3A_47 : vector<16xf32>
      %swap3A_302 = arith.index_cast %scan3A_12 : i32 to index
      %swap3A_303 = arith.constant 400 : index
      %swap3A_304 = tpu.vector_load %arg8[%swap3A_302, %swap3A_303] {strides = array<i32>} : memref<64x768xf32, #tpu.memory_space<vmem>>, vector<1x16xf32>,
      %swap3A_305 = vector.shape_cast %swap3A_304 : vector<1x16xf32> to vector<16xf32>
      %swap3A_306 = vector.shape_cast %mul3A_301 : vector<16xf32> to vector<1x16xf32>
      tpu.vector_store %arg8[%swap3A_302, %swap3A_303], %swap3A_306 {strides = array<i32>} : memref<64x768xf32, #tpu.memory_space<vmem>>, vector<1x16xf32>,
      %get3A_307 = arith.index_cast %scan3A_12 : i32 to index
      %get3A_308 = arith.constant 416 : index
      %get3A_309 = tpu.vector_load %arg8[%get3A_307, %get3A_308] {strides = array<i32>} : memref<64x768xf32, #tpu.memory_space<vmem>>, vector<1x16xf32>,
      %get3A_310 = vector.shape_cast %get3A_309 : vector<1x16xf32> to vector<16xf32>
      %mul3A_311 = arith.mulf %get3A_310, %gather3A_47 : vector<16xf32>
      %swap3A_312 = arith.index_cast %scan3A_12 : i32 to index
      %swap3A_313 = arith.constant 416 : index
      %swap3A_314 = tpu.vector_load %arg8[%swap3A_312, %swap3A_313] {strides = array<i32>} : memref<64x768xf32, #tpu.memory_space<vmem>>, vector<1x16xf32>,
      %swap3A_315 = vector.shape_cast %swap3A_314 : vector<1x16xf32> to vector<16xf32>
      %swap3A_316 = vector.shape_cast %mul3A_311 : vector<16xf32> to vector<1x16xf32>
      tpu.vector_store %arg8[%swap3A_312, %swap3A_313], %swap3A_316 {strides = array<i32>} : memref<64x768xf32, #tpu.memory_space<vmem>>, vector<1x16xf32>,
      %get3A_317 = arith.index_cast %scan3A_12 : i32 to index
      %get3A_318 = arith.constant 432 : index
      %get3A_319 = tpu.vector_load %arg8[%get3A_317, %get3A_318] {strides = array<i32>} : memref<64x768xf32, #tpu.memory_space<vmem>>, vector<1x16xf32>,
      %get3A_320 = vector.shape_cast %get3A_319 : vector<1x16xf32> to vector<16xf32>
      %mul3A_321 = arith.mulf %get3A_320, %gather3A_47 : vector<16xf32>
      %swap3A_322 = arith.index_cast %scan3A_12 : i32 to index
      %swap3A_323 = arith.constant 432 : index
      %swap3A_324 = tpu.vector_load %arg8[%swap3A_322, %swap3A_323] {strides = array<i32>} : memref<64x768xf32, #tpu.memory_space<vmem>>, vector<1x16xf32>,
      %swap3A_325 = vector.shape_cast %swap3A_324 : vector<1x16xf32> to vector<16xf32>
      %swap3A_326 = vector.shape_cast %mul3A_321 : vector<16xf32> to vector<1x16xf32>
      tpu.vector_store %arg8[%swap3A_322, %swap3A_323], %swap3A_326 {strides = array<i32>} : memref<64x768xf32, #tpu.memory_space<vmem>>, vector<1x16xf32>,
      %get3A_327 = arith.index_cast %scan3A_12 : i32 to index
      %get3A_328 = arith.constant 448 : index
      %get3A_329 = tpu.vector_load %arg8[%get3A_327, %get3A_328] {strides = array<i32>} : memref<64x768xf32, #tpu.memory_space<vmem>>, vector<1x16xf32>,
      %get3A_330 = vector.shape_cast %get3A_329 : vector<1x16xf32> to vector<16xf32>
      %mul3A_331 = arith.mulf %get3A_330, %gather3A_47 : vector<16xf32>
      %swap3A_332 = arith.index_cast %scan3A_12 : i32 to index
      %swap3A_333 = arith.constant 448 : index
      %swap3A_334 = tpu.vector_load %arg8[%swap3A_332, %swap3A_333] {strides = array<i32>} : memref<64x768xf32, #tpu.memory_space<vmem>>, vector<1x16xf32>,
      %swap3A_335 = vector.shape_cast %swap3A_334 : vector<1x16xf32> to vector<16xf32>
      %swap3A_336 = vector.shape_cast %mul3A_331 : vector<16xf32> to vector<1x16xf32>
      tpu.vector_store %arg8[%swap3A_332, %swap3A_333], %swap3A_336 {strides = array<i32>} : memref<64x768xf32, #tpu.memory_space<vmem>>, vector<1x16xf32>,
      %get3A_337 = arith.index_cast %scan3A_12 : i32 to index
      %get3A_338 = arith.constant 464 : index
      %get3A_339 = tpu.vector_load %arg8[%get3A_337, %get3A_338] {strides = array<i32>} : memref<64x768xf32, #tpu.memory_space<vmem>>, vector<1x16xf32>,
      %get3A_340 = vector.shape_cast %get3A_339 : vector<1x16xf32> to vector<16xf32>
      %mul3A_341 = arith.mulf %get3A_340, %gather3A_47 : vector<16xf32>
      %swap3A_342 = arith.index_cast %scan3A_12 : i32 to index
      %swap3A_343 = arith.constant 464 : index
      %swap3A_344 = tpu.vector_load %arg8[%swap3A_342, %swap3A_343] {strides = array<i32>} : memref<64x768xf32, #tpu.memory_space<vmem>>, vector<1x16xf32>,
      %swap3A_345 = vector.shape_cast %swap3A_344 : vector<1x16xf32> to vector<16xf32>
      %swap3A_346 = vector.shape_cast %mul3A_341 : vector<16xf32> to vector<1x16xf32>
      tpu.vector_store %arg8[%swap3A_342, %swap3A_343], %swap3A_346 {strides = array<i32>} : memref<64x768xf32, #tpu.memory_space<vmem>>, vector<1x16xf32>,
      %get3A_347 = arith.index_cast %scan3A_12 : i32 to index
      %get3A_348 = arith.constant 480 : index
      %get3A_349 = tpu.vector_load %arg8[%get3A_347, %get3A_348] {strides = array<i32>} : memref<64x768xf32, #tpu.memory_space<vmem>>, vector<1x16xf32>,
      %get3A_350 = vector.shape_cast %get3A_349 : vector<1x16xf32> to vector<16xf32>
      %mul3A_351 = arith.mulf %get3A_350, %gather3A_47 : vector<16xf32>
      %swap3A_352 = arith.index_cast %scan3A_12 : i32 to index
      %swap3A_353 = arith.constant 480 : index
      %swap3A_354 = tpu.vector_load %arg8[%swap3A_352, %swap3A_353] {strides = array<i32>} : memref<64x768xf32, #tpu.memory_space<vmem>>, vector<1x16xf32>,
      %swap3A_355 = vector.shape_cast %swap3A_354 : vector<1x16xf32> to vector<16xf32>
      %swap3A_356 = vector.shape_cast %mul3A_351 : vector<16xf32> to vector<1x16xf32>
      tpu.vector_store %arg8[%swap3A_352, %swap3A_353], %swap3A_356 {strides = array<i32>} : memref<64x768xf32, #tpu.memory_space<vmem>>, vector<1x16xf32>,
      %get3A_357 = arith.index_cast %scan3A_12 : i32 to index
      %get3A_358 = arith.constant 496 : index
      %get3A_359 = tpu.vector_load %arg8[%get3A_357, %get3A_358] {strides = array<i32>} : memref<64x768xf32, #tpu.memory_space<vmem>>, vector<1x16xf32>,
      %get3A_360 = vector.shape_cast %get3A_359 : vector<1x16xf32> to vector<16xf32>
      %mul3A_361 = arith.mulf %get3A_360, %gather3A_47 : vector<16xf32>
      %swap3A_362 = arith.index_cast %scan3A_12 : i32 to index
      %swap3A_363 = arith.constant 496 : index
      %swap3A_364 = tpu.vector_load %arg8[%swap3A_362, %swap3A_363] {strides = array<i32>} : memref<64x768xf32, #tpu.memory_space<vmem>>, vector<1x16xf32>,
      %swap3A_365 = vector.shape_cast %swap3A_364 : vector<1x16xf32> to vector<16xf32>
      %swap3A_366 = vector.shape_cast %mul3A_361 : vector<16xf32> to vector<1x16xf32>
      tpu.vector_store %arg8[%swap3A_362, %swap3A_363], %swap3A_366 {strides = array<i32>} : memref<64x768xf32, #tpu.memory_space<vmem>>, vector<1x16xf32>,
      %get3A_367 = arith.index_cast %scan3A_12 : i32 to index
      %get3A_368 = arith.constant 512 : index
      %get3A_369 = tpu.vector_load %arg8[%get3A_367, %get3A_368] {strides = array<i32>} : memref<64x768xf32, #tpu.memory_space<vmem>>, vector<1x16xf32>,
      %get3A_370 = vector.shape_cast %get3A_369 : vector<1x16xf32> to vector<16xf32>
      %mul3A_371 = arith.mulf %get3A_370, %gather3A_47 : vector<16xf32>
      %swap3A_372 = arith.index_cast %scan3A_12 : i32 to index
      %swap3A_373 = arith.constant 512 : index
      %swap3A_374 = tpu.vector_load %arg8[%swap3A_372, %swap3A_373] {strides = array<i32>} : memref<64x768xf32, #tpu.memory_space<vmem>>, vector<1x16xf32>,
      %swap3A_375 = vector.shape_cast %swap3A_374 : vector<1x16xf32> to vector<16xf32>
      %swap3A_376 = vector.shape_cast %mul3A_371 : vector<16xf32> to vector<1x16xf32>
      tpu.vector_store %arg8[%swap3A_372, %swap3A_373], %swap3A_376 {strides = array<i32>} : memref<64x768xf32, #tpu.memory_space<vmem>>, vector<1x16xf32>,
      %get3A_377 = arith.index_cast %scan3A_12 : i32 to index
      %get3A_378 = arith.constant 528 : index
      %get3A_379 = tpu.vector_load %arg8[%get3A_377, %get3A_378] {strides = array<i32>} : memref<64x768xf32, #tpu.memory_space<vmem>>, vector<1x16xf32>,
      %get3A_380 = vector.shape_cast %get3A_379 : vector<1x16xf32> to vector<16xf32>
      %mul3A_381 = arith.mulf %get3A_380, %gather3A_47 : vector<16xf32>
      %swap3A_382 = arith.index_cast %scan3A_12 : i32 to index
      %swap3A_383 = arith.constant 528 : index
      %swap3A_384 = tpu.vector_load %arg8[%swap3A_382, %swap3A_383] {strides = array<i32>} : memref<64x768xf32, #tpu.memory_space<vmem>>, vector<1x16xf32>,
      %swap3A_385 = vector.shape_cast %swap3A_384 : vector<1x16xf32> to vector<16xf32>
      %swap3A_386 = vector.shape_cast %mul3A_381 : vector<16xf32> to vector<1x16xf32>
      tpu.vector_store %arg8[%swap3A_382, %swap3A_383], %swap3A_386 {strides = array<i32>} : memref<64x768xf32, #tpu.memory_space<vmem>>, vector<1x16xf32>,
      %get3A_387 = arith.index_cast %scan3A_12 : i32 to index
      %get3A_388 = arith.constant 544 : index
      %get3A_389 = tpu.vector_load %arg8[%get3A_387, %get3A_388] {strides = array<i32>} : memref<64x768xf32, #tpu.memory_space<vmem>>, vector<1x16xf32>,
      %get3A_390 = vector.shape_cast %get3A_389 : vector<1x16xf32> to vector<16xf32>
      %mul3A_391 = arith.mulf %get3A_390, %gather3A_47 : vector<16xf32>
      %swap3A_392 = arith.index_cast %scan3A_12 : i32 to index
      %swap3A_393 = arith.constant 544 : index
      %swap3A_394 = tpu.vector_load %arg8[%swap3A_392, %swap3A_393] {strides = array<i32>} : memref<64x768xf32, #tpu.memory_space<vmem>>, vector<1x16xf32>,
      %swap3A_395 = vector.shape_cast %swap3A_394 : vector<1x16xf32> to vector<16xf32>
      %swap3A_396 = vector.shape_cast %mul3A_391 : vector<16xf32> to vector<1x16xf32>
      tpu.vector_store %arg8[%swap3A_392, %swap3A_393], %swap3A_396 {strides = array<i32>} : memref<64x768xf32, #tpu.memory_space<vmem>>, vector<1x16xf32>,
      %get3A_397 = arith.index_cast %scan3A_12 : i32 to index
      %get3A_398 = arith.constant 560 : index
      %get3A_399 = tpu.vector_load %arg8[%get3A_397, %get3A_398] {strides = array<i32>} : memref<64x768xf32, #tpu.memory_space<vmem>>, vector<1x16xf32>,
      %get3A_400 = vector.shape_cast %get3A_399 : vector<1x16xf32> to vector<16xf32>
      %mul3A_401 = arith.mulf %get3A_400, %gather3A_47 : vector<16xf32>
      %swap3A_402 = arith.index_cast %scan3A_12 : i32 to index
      %swap3A_403 = arith.constant 560 : index
      %swap3A_404 = tpu.vector_load %arg8[%swap3A_402, %swap3A_403] {strides = array<i32>} : memref<64x768xf32, #tpu.memory_space<vmem>>, vector<1x16xf32>,
      %swap3A_405 = vector.shape_cast %swap3A_404 : vector<1x16xf32> to vector<16xf32>
      %swap3A_406 = vector.shape_cast %mul3A_401 : vector<16xf32> to vector<1x16xf32>
      tpu.vector_store %arg8[%swap3A_402, %swap3A_403], %swap3A_406 {strides = array<i32>} : memref<64x768xf32, #tpu.memory_space<vmem>>, vector<1x16xf32>,
      %get3A_407 = arith.index_cast %scan3A_12 : i32 to index
      %get3A_408 = arith.constant 576 : index
      %get3A_409 = tpu.vector_load %arg8[%get3A_407, %get3A_408] {strides = array<i32>} : memref<64x768xf32, #tpu.memory_space<vmem>>, vector<1x16xf32>,
      %get3A_410 = vector.shape_cast %get3A_409 : vector<1x16xf32> to vector<16xf32>
      %mul3A_411 = arith.mulf %get3A_410, %gather3A_47 : vector<16xf32>
      %swap3A_412 = arith.index_cast %scan3A_12 : i32 to index
      %swap3A_413 = arith.constant 576 : index
      %swap3A_414 = tpu.vector_load %arg8[%swap3A_412, %swap3A_413] {strides = array<i32>} : memref<64x768xf32, #tpu.memory_space<vmem>>, vector<1x16xf32>,
      %swap3A_415 = vector.shape_cast %swap3A_414 : vector<1x16xf32> to vector<16xf32>
      %swap3A_416 = vector.shape_cast %mul3A_411 : vector<16xf32> to vector<1x16xf32>
      tpu.vector_store %arg8[%swap3A_412, %swap3A_413], %swap3A_416 {strides = array<i32>} : memref<64x768xf32, #tpu.memory_space<vmem>>, vector<1x16xf32>,
      %get3A_417 = arith.index_cast %scan3A_12 : i32 to index
      %get3A_418 = arith.constant 592 : index
      %get3A_419 = tpu.vector_load %arg8[%get3A_417, %get3A_418] {strides = array<i32>} : memref<64x768xf32, #tpu.memory_space<vmem>>, vector<1x16xf32>,
      %get3A_420 = vector.shape_cast %get3A_419 : vector<1x16xf32> to vector<16xf32>
      %mul3A_421 = arith.mulf %get3A_420, %gather3A_47 : vector<16xf32>
      %swap3A_422 = arith.index_cast %scan3A_12 : i32 to index
      %swap3A_423 = arith.constant 592 : index
      %swap3A_424 = tpu.vector_load %arg8[%swap3A_422, %swap3A_423] {strides = array<i32>} : memref<64x768xf32, #tpu.memory_space<vmem>>, vector<1x16xf32>,
      %swap3A_425 = vector.shape_cast %swap3A_424 : vector<1x16xf32> to vector<16xf32>
      %swap3A_426 = vector.shape_cast %mul3A_421 : vector<16xf32> to vector<1x16xf32>
      tpu.vector_store %arg8[%swap3A_422, %swap3A_423], %swap3A_426 {strides = array<i32>} : memref<64x768xf32, #tpu.memory_space<vmem>>, vector<1x16xf32>,
      %get3A_427 = arith.index_cast %scan3A_12 : i32 to index
      %get3A_428 = arith.constant 608 : index
      %get3A_429 = tpu.vector_load %arg8[%get3A_427, %get3A_428] {strides = array<i32>} : memref<64x768xf32, #tpu.memory_space<vmem>>, vector<1x16xf32>,
      %get3A_430 = vector.shape_cast %get3A_429 : vector<1x16xf32> to vector<16xf32>
      %mul3A_431 = arith.mulf %get3A_430, %gather3A_47 : vector<16xf32>
      %swap3A_432 = arith.index_cast %scan3A_12 : i32 to index
      %swap3A_433 = arith.constant 608 : index
      %swap3A_434 = tpu.vector_load %arg8[%swap3A_432, %swap3A_433] {strides = array<i32>} : memref<64x768xf32, #tpu.memory_space<vmem>>, vector<1x16xf32>,
      %swap3A_435 = vector.shape_cast %swap3A_434 : vector<1x16xf32> to vector<16xf32>
      %swap3A_436 = vector.shape_cast %mul3A_431 : vector<16xf32> to vector<1x16xf32>
      tpu.vector_store %arg8[%swap3A_432, %swap3A_433], %swap3A_436 {strides = array<i32>} : memref<64x768xf32, #tpu.memory_space<vmem>>, vector<1x16xf32>,
      %get3A_437 = arith.index_cast %scan3A_12 : i32 to index
      %get3A_438 = arith.constant 624 : index
      %get3A_439 = tpu.vector_load %arg8[%get3A_437, %get3A_438] {strides = array<i32>} : memref<64x768xf32, #tpu.memory_space<vmem>>, vector<1x16xf32>,
      %get3A_440 = vector.shape_cast %get3A_439 : vector<1x16xf32> to vector<16xf32>
      %mul3A_441 = arith.mulf %get3A_440, %gather3A_47 : vector<16xf32>
      %swap3A_442 = arith.index_cast %scan3A_12 : i32 to index
      %swap3A_443 = arith.constant 624 : index
      %swap3A_444 = tpu.vector_load %arg8[%swap3A_442, %swap3A_443] {strides = array<i32>} : memref<64x768xf32, #tpu.memory_space<vmem>>, vector<1x16xf32>,
      %swap3A_445 = vector.shape_cast %swap3A_444 : vector<1x16xf32> to vector<16xf32>
      %swap3A_446 = vector.shape_cast %mul3A_441 : vector<16xf32> to vector<1x16xf32>
      tpu.vector_store %arg8[%swap3A_442, %swap3A_443], %swap3A_446 {strides = array<i32>} : memref<64x768xf32, #tpu.memory_space<vmem>>, vector<1x16xf32>,
      %get3A_447 = arith.index_cast %scan3A_12 : i32 to index
      %get3A_448 = arith.constant 640 : index
      %get3A_449 = tpu.vector_load %arg8[%get3A_447, %get3A_448] {strides = array<i32>} : memref<64x768xf32, #tpu.memory_space<vmem>>, vector<1x16xf32>,
      %get3A_450 = vector.shape_cast %get3A_449 : vector<1x16xf32> to vector<16xf32>
      %mul3A_451 = arith.mulf %get3A_450, %gather3A_47 : vector<16xf32>
      %swap3A_452 = arith.index_cast %scan3A_12 : i32 to index
      %swap3A_453 = arith.constant 640 : index
      %swap3A_454 = tpu.vector_load %arg8[%swap3A_452, %swap3A_453] {strides = array<i32>} : memref<64x768xf32, #tpu.memory_space<vmem>>, vector<1x16xf32>,
      %swap3A_455 = vector.shape_cast %swap3A_454 : vector<1x16xf32> to vector<16xf32>
      %swap3A_456 = vector.shape_cast %mul3A_451 : vector<16xf32> to vector<1x16xf32>
      tpu.vector_store %arg8[%swap3A_452, %swap3A_453], %swap3A_456 {strides = array<i32>} : memref<64x768xf32, #tpu.memory_space<vmem>>, vector<1x16xf32>,
      %get3A_457 = arith.index_cast %scan3A_12 : i32 to index
      %get3A_458 = arith.constant 656 : index
      %get3A_459 = tpu.vector_load %arg8[%get3A_457, %get3A_458] {strides = array<i32>} : memref<64x768xf32, #tpu.memory_space<vmem>>, vector<1x16xf32>,
      %get3A_460 = vector.shape_cast %get3A_459 : vector<1x16xf32> to vector<16xf32>
      %mul3A_461 = arith.mulf %get3A_460, %gather3A_47 : vector<16xf32>
      %swap3A_462 = arith.index_cast %scan3A_12 : i32 to index
      %swap3A_463 = arith.constant 656 : index
      %swap3A_464 = tpu.vector_load %arg8[%swap3A_462, %swap3A_463] {strides = array<i32>} : memref<64x768xf32, #tpu.memory_space<vmem>>, vector<1x16xf32>,
      %swap3A_465 = vector.shape_cast %swap3A_464 : vector<1x16xf32> to vector<16xf32>
      %swap3A_466 = vector.shape_cast %mul3A_461 : vector<16xf32> to vector<1x16xf32>
      tpu.vector_store %arg8[%swap3A_462, %swap3A_463], %swap3A_466 {strides = array<i32>} : memref<64x768xf32, #tpu.memory_space<vmem>>, vector<1x16xf32>,
      %get3A_467 = arith.index_cast %scan3A_12 : i32 to index
      %get3A_468 = arith.constant 672 : index
      %get3A_469 = tpu.vector_load %arg8[%get3A_467, %get3A_468] {strides = array<i32>} : memref<64x768xf32, #tpu.memory_space<vmem>>, vector<1x16xf32>,
      %get3A_470 = vector.shape_cast %get3A_469 : vector<1x16xf32> to vector<16xf32>
      %mul3A_471 = arith.mulf %get3A_470, %gather3A_47 : vector<16xf32>
      %swap3A_472 = arith.index_cast %scan3A_12 : i32 to index
      %swap3A_473 = arith.constant 672 : index
      %swap3A_474 = tpu.vector_load %arg8[%swap3A_472, %swap3A_473] {strides = array<i32>} : memref<64x768xf32, #tpu.memory_space<vmem>>, vector<1x16xf32>,
      %swap3A_475 = vector.shape_cast %swap3A_474 : vector<1x16xf32> to vector<16xf32>
      %swap3A_476 = vector.shape_cast %mul3A_471 : vector<16xf32> to vector<1x16xf32>
      tpu.vector_store %arg8[%swap3A_472, %swap3A_473], %swap3A_476 {strides = array<i32>} : memref<64x768xf32, #tpu.memory_space<vmem>>, vector<1x16xf32>,
      %get3A_477 = arith.index_cast %scan3A_12 : i32 to index
      %get3A_478 = arith.constant 688 : index
      %get3A_479 = tpu.vector_load %arg8[%get3A_477, %get3A_478] {strides = array<i32>} : memref<64x768xf32, #tpu.memory_space<vmem>>, vector<1x16xf32>,
      %get3A_480 = vector.shape_cast %get3A_479 : vector<1x16xf32> to vector<16xf32>
      %mul3A_481 = arith.mulf %get3A_480, %gather3A_47 : vector<16xf32>
      %swap3A_482 = arith.index_cast %scan3A_12 : i32 to index
      %swap3A_483 = arith.constant 688 : index
      %swap3A_484 = tpu.vector_load %arg8[%swap3A_482, %swap3A_483] {strides = array<i32>} : memref<64x768xf32, #tpu.memory_space<vmem>>, vector<1x16xf32>,
      %swap3A_485 = vector.shape_cast %swap3A_484 : vector<1x16xf32> to vector<16xf32>
      %swap3A_486 = vector.shape_cast %mul3A_481 : vector<16xf32> to vector<1x16xf32>
      tpu.vector_store %arg8[%swap3A_482, %swap3A_483], %swap3A_486 {strides = array<i32>} : memref<64x768xf32, #tpu.memory_space<vmem>>, vector<1x16xf32>,
      %get3A_487 = arith.index_cast %scan3A_12 : i32 to index
      %get3A_488 = arith.constant 704 : index
      %get3A_489 = tpu.vector_load %arg8[%get3A_487, %get3A_488] {strides = array<i32>} : memref<64x768xf32, #tpu.memory_space<vmem>>, vector<1x16xf32>,
      %get3A_490 = vector.shape_cast %get3A_489 : vector<1x16xf32> to vector<16xf32>
      %mul3A_491 = arith.mulf %get3A_490, %gather3A_47 : vector<16xf32>
      %swap3A_492 = arith.index_cast %scan3A_12 : i32 to index
      %swap3A_493 = arith.constant 704 : index
      %swap3A_494 = tpu.vector_load %arg8[%swap3A_492, %swap3A_493] {strides = array<i32>} : memref<64x768xf32, #tpu.memory_space<vmem>>, vector<1x16xf32>,
      %swap3A_495 = vector.shape_cast %swap3A_494 : vector<1x16xf32> to vector<16xf32>
      %swap3A_496 = vector.shape_cast %mul3A_491 : vector<16xf32> to vector<1x16xf32>
      tpu.vector_store %arg8[%swap3A_492, %swap3A_493], %swap3A_496 {strides = array<i32>} : memref<64x768xf32, #tpu.memory_space<vmem>>, vector<1x16xf32>,
      %get3A_497 = arith.index_cast %scan3A_12 : i32 to index
      %get3A_498 = arith.constant 720 : index
      %get3A_499 = tpu.vector_load %arg8[%get3A_497, %get3A_498] {strides = array<i32>} : memref<64x768xf32, #tpu.memory_space<vmem>>, vector<1x16xf32>,
      %get3A_500 = vector.shape_cast %get3A_499 : vector<1x16xf32> to vector<16xf32>
      %mul3A_501 = arith.mulf %get3A_500, %gather3A_47 : vector<16xf32>
      %swap3A_502 = arith.index_cast %scan3A_12 : i32 to index
      %swap3A_503 = arith.constant 720 : index
      %swap3A_504 = tpu.vector_load %arg8[%swap3A_502, %swap3A_503] {strides = array<i32>} : memref<64x768xf32, #tpu.memory_space<vmem>>, vector<1x16xf32>,
      %swap3A_505 = vector.shape_cast %swap3A_504 : vector<1x16xf32> to vector<16xf32>
      %swap3A_506 = vector.shape_cast %mul3A_501 : vector<16xf32> to vector<1x16xf32>
      tpu.vector_store %arg8[%swap3A_502, %swap3A_503], %swap3A_506 {strides = array<i32>} : memref<64x768xf32, #tpu.memory_space<vmem>>, vector<1x16xf32>,
      %get3A_507 = arith.index_cast %scan3A_12 : i32 to index
      %get3A_508 = arith.constant 736 : index
      %get3A_509 = tpu.vector_load %arg8[%get3A_507, %get3A_508] {strides = array<i32>} : memref<64x768xf32, #tpu.memory_space<vmem>>, vector<1x16xf32>,
      %get3A_510 = vector.shape_cast %get3A_509 : vector<1x16xf32> to vector<16xf32>
      %mul3A_511 = arith.mulf %get3A_510, %gather3A_47 : vector<16xf32>
      %swap3A_512 = arith.index_cast %scan3A_12 : i32 to index
      %swap3A_513 = arith.constant 736 : index
      %swap3A_514 = tpu.vector_load %arg8[%swap3A_512, %swap3A_513] {strides = array<i32>} : memref<64x768xf32, #tpu.memory_space<vmem>>, vector<1x16xf32>,
      %swap3A_515 = vector.shape_cast %swap3A_514 : vector<1x16xf32> to vector<16xf32>
      %swap3A_516 = vector.shape_cast %mul3A_511 : vector<16xf32> to vector<1x16xf32>
      tpu.vector_store %arg8[%swap3A_512, %swap3A_513], %swap3A_516 {strides = array<i32>} : memref<64x768xf32, #tpu.memory_space<vmem>>, vector<1x16xf32>,
      %get3A_517 = arith.index_cast %scan3A_12 : i32 to index
      %get3A_518 = arith.constant 752 : index
      %get3A_519 = tpu.vector_load %arg8[%get3A_517, %get3A_518] {strides = array<i32>} : memref<64x768xf32, #tpu.memory_space<vmem>>, vector<1x16xf32>,
      %get3A_520 = vector.shape_cast %get3A_519 : vector<1x16xf32> to vector<16xf32>
      %mul3A_521 = arith.mulf %get3A_520, %gather3A_47 : vector<16xf32>
      %swap3A_522 = arith.index_cast %scan3A_12 : i32 to index
      %swap3A_523 = arith.constant 752 : index
      %swap3A_524 = tpu.vector_load %arg8[%swap3A_522, %swap3A_523] {strides = array<i32>} : memref<64x768xf32, #tpu.memory_space<vmem>>, vector<1x16xf32>,
      %swap3A_525 = vector.shape_cast %swap3A_524 : vector<1x16xf32> to vector<16xf32>
      %swap3A_526 = vector.shape_cast %mul3A_521 : vector<16xf32> to vector<1x16xf32>
      tpu.vector_store %arg8[%swap3A_522, %swap3A_523], %swap3A_526 {strides = array<i32>} : memref<64x768xf32, #tpu.memory_space<vmem>>, vector<1x16xf32>,
    }
    %scan3A_11 = arith.constant 64 : i32
    "tpu.region"() ({
      %run_scoped3A = tpu.sem_alloc : memref<!tpu.dma_semaphore, #tpu.memory_space<semaphore_mem>>
      %dma_start3A_12 = arith.constant 0 : i32
      %dma_start3A_13 = tpu.memref_slice %arg5[%mul3A_2, %dma_start3A_12] : memref<2048x768xf32, #tpu.memory_space<hbm>> -> memref<64x768xf32, #tpu.memory_space<hbm>>
      %dma_start3A_14 = arith.constant 0 : i32
      %dma_start3A_15 = tpu.memref_slice %arg5[%mul3A_2, %dma_start3A_14] : memref<2048x768xf32, #tpu.memory_space<hbm>> -> memref<64x768xf32, #tpu.memory_space<hbm>>
      tpu.enqueue_dma source(%arg8 : memref<64x768xf32, #tpu.memory_space<vmem>>) target(%dma_start3A_15 : memref<64x768xf32, #tpu.memory_space<hbm>>) target_semaphore(%run_scoped3A : memref<!tpu.dma_semaphore, #tpu.memory_space<semaphore_mem>>)
      %dma_wait3A_16 = arith.constant 0 : i32
      %dma_wait3A_17 = tpu.memref_slice %arg5[%mul3A_2, %dma_wait3A_16] : memref<2048x768xf32, #tpu.memory_space<hbm>> -> memref<64x768xf32, #tpu.memory_space<hbm>>
      %dma_wait3A_18 = arith.constant 0 : i32
      %dma_wait3A_19 = tpu.memref_slice %arg5[%mul3A_2, %dma_wait3A_18] : memref<2048x768xf32, #tpu.memory_space<hbm>> -> memref<64x768xf32, #tpu.memory_space<hbm>>
      tpu.wait_dma2 semaphore(%run_scoped3A : memref<!tpu.dma_semaphore, #tpu.memory_space<semaphore_mem>>) src(%arg8 : memref<64x768xf32, #tpu.memory_space<vmem>>) dst(%dma_wait3A_19 : memref<64x768xf32, #tpu.memory_space<hbm>>)
      tpu.yield
    }) : () -> ()
    return
  }
}

module attributes {stable_mosaic.version = 14 : i64} {
  func.func @_router_body(%arg0: memref<2048x64xf32, #tpu.memory_space<vmem>>, %arg1: memref<2048xf32, #tpu.memory_space<vmem>>, %arg2: memref<2048xi32, #tpu.memory_space<vmem>>, %arg3: memref<2048xi32, #tpu.memory_space<vmem>>) attributes {dimension_semantics = [], scalar_prefetch = 0 : i64, scratch_operands = 0 : i64, tpu.core_type = #tpu.core_type<tc>} {
    %get3A = arith.constant 0 : index
    %get3A_0 = arith.constant 0 : index
    %get3A_1 = vector.load %arg0[%get3A, %get3A_0] : memref<2048x64xf32, #tpu.memory_space<vmem>>, vector<2048x64xf32>
    %reduce_max3A = arith.constant dense<0xFF800000> : vector<2048xf32>
    %reduce_max3A_2 = vector.multi_reduction <maximumf>, %get3A_1, %reduce_max3A [1] : vector<2048x64xf32> to vector<2048xf32>
    %iota3A = tpu.iota {dimensions = array<i32: 1>} : vector<2048x64xi32>
    %broadcast_in_dim3A = vector.shape_cast %reduce_max3A_2 : vector<2048xf32> to vector<2048x1xf32>
    %eq3A = vector.broadcast %broadcast_in_dim3A : vector<2048x1xf32> to vector<2048x64xf32>
    %eq3A_3 = arith.cmpf oeq, %get3A_1, %eq3A : vector<2048x64xf32>
    %jit3A = arith.constant 64 : i32
    %broadcast_in_dim3A_4 = vector.broadcast %jit3A : i32 to vector<2048x64xi32>
    %select_n3A = arith.select %eq3A_3, %iota3A, %broadcast_in_dim3A_4 : vector<2048x64xi1>, vector<2048x64xi32>
    %reduce_min3A = arith.constant dense<2147483647> : vector<2048xi32>
    %reduce_min3A_5 = vector.multi_reduction <minsi>, %select_n3A, %reduce_min3A [1] : vector<2048x64xi32> to vector<2048xi32>
    %broadcast_in_dim3A_6 = vector.shape_cast %reduce_min3A_5 : vector<2048xi32> to vector<2048x1xi32>
    %eq3A_7 = vector.broadcast %broadcast_in_dim3A_6 : vector<2048x1xi32> to vector<2048x64xi32>
    %eq3A_8 = arith.cmpi eq, %iota3A, %eq3A_7 : vector<2048x64xi32>
    %convert_element_type3A = arith.extui %eq3A_8 : vector<2048x64xi1> to vector<2048x64xi32>
    %broadcast_in_dim3A_9 = arith.constant 0 : i32
    %broadcast_in_dim3A_10 = vector.broadcast %broadcast_in_dim3A_9 : i32 to vector<1x64xi32>
    %slice3A = vector.extract_strided_slice %convert_element_type3A {offsets = [0, 0], sizes = [2047, 64], strides = [1, 1]} : vector<2048x64xi32> to vector<2047x64xi32>
    %concatenate3A = tpu.concatenate %broadcast_in_dim3A_10, %slice3A in 0 : vector<1x64xi32>, vector<2047x64xi32> -> vector<2048x64xi32>
    %add3A = arith.addi %convert_element_type3A, %concatenate3A : vector<2048x64xi32>
    %broadcast_in_dim3A_11 = arith.constant 0 : i32
    %broadcast_in_dim3A_12 = vector.broadcast %broadcast_in_dim3A_11 : i32 to vector<2x64xi32>
    %slice3A_13 = vector.extract_strided_slice %add3A {offsets = [0, 0], sizes = [2046, 64], strides = [1, 1]} : vector<2048x64xi32> to vector<2046x64xi32>
    %concatenate3A_14 = tpu.concatenate %broadcast_in_dim3A_12, %slice3A_13 in 0 : vector<2x64xi32>, vector<2046x64xi32> -> vector<2048x64xi32>
    %add3A_15 = arith.addi %add3A, %concatenate3A_14 : vector<2048x64xi32>
    %broadcast_in_dim3A_16 = arith.constant 0 : i32
    %broadcast_in_dim3A_17 = vector.broadcast %broadcast_in_dim3A_16 : i32 to vector<4x64xi32>
    %slice3A_18 = vector.extract_strided_slice %add3A_15 {offsets = [0, 0], sizes = [2044, 64], strides = [1, 1]} : vector<2048x64xi32> to vector<2044x64xi32>
    %concatenate3A_19 = tpu.concatenate %broadcast_in_dim3A_17, %slice3A_18 in 0 : vector<4x64xi32>, vector<2044x64xi32> -> vector<2048x64xi32>
    %add3A_20 = arith.addi %add3A_15, %concatenate3A_19 : vector<2048x64xi32>
    %broadcast_in_dim3A_21 = arith.constant 0 : i32
    %broadcast_in_dim3A_22 = vector.broadcast %broadcast_in_dim3A_21 : i32 to vector<8x64xi32>
    %slice3A_23 = vector.extract_strided_slice %add3A_20 {offsets = [0, 0], sizes = [2040, 64], strides = [1, 1]} : vector<2048x64xi32> to vector<2040x64xi32>
    %concatenate3A_24 = tpu.concatenate %broadcast_in_dim3A_22, %slice3A_23 in 0 : vector<8x64xi32>, vector<2040x64xi32> -> vector<2048x64xi32>
    %add3A_25 = arith.addi %add3A_20, %concatenate3A_24 : vector<2048x64xi32>
    %broadcast_in_dim3A_26 = arith.constant 0 : i32
    %broadcast_in_dim3A_27 = vector.broadcast %broadcast_in_dim3A_26 : i32 to vector<16x64xi32>
    %slice3A_28 = vector.extract_strided_slice %add3A_25 {offsets = [0, 0], sizes = [2032, 64], strides = [1, 1]} : vector<2048x64xi32> to vector<2032x64xi32>
    %concatenate3A_29 = tpu.concatenate %broadcast_in_dim3A_27, %slice3A_28 in 0 : vector<16x64xi32>, vector<2032x64xi32> -> vector<2048x64xi32>
    %add3A_30 = arith.addi %add3A_25, %concatenate3A_29 : vector<2048x64xi32>
    %broadcast_in_dim3A_31 = arith.constant 0 : i32
    %broadcast_in_dim3A_32 = vector.broadcast %broadcast_in_dim3A_31 : i32 to vector<32x64xi32>
    %slice3A_33 = vector.extract_strided_slice %add3A_30 {offsets = [0, 0], sizes = [2016, 64], strides = [1, 1]} : vector<2048x64xi32> to vector<2016x64xi32>
    %concatenate3A_34 = tpu.concatenate %broadcast_in_dim3A_32, %slice3A_33 in 0 : vector<32x64xi32>, vector<2016x64xi32> -> vector<2048x64xi32>
    %add3A_35 = arith.addi %add3A_30, %concatenate3A_34 : vector<2048x64xi32>
    %broadcast_in_dim3A_36 = arith.constant 0 : i32
    %broadcast_in_dim3A_37 = vector.broadcast %broadcast_in_dim3A_36 : i32 to vector<64x64xi32>
    %slice3A_38 = vector.extract_strided_slice %add3A_35 {offsets = [0, 0], sizes = [1984, 64], strides = [1, 1]} : vector<2048x64xi32> to vector<1984x64xi32>
    %concatenate3A_39 = tpu.concatenate %broadcast_in_dim3A_37, %slice3A_38 in 0 : vector<64x64xi32>, vector<1984x64xi32> -> vector<2048x64xi32>
    %add3A_40 = arith.addi %add3A_35, %concatenate3A_39 : vector<2048x64xi32>
    %broadcast_in_dim3A_41 = arith.constant 0 : i32
    %broadcast_in_dim3A_42 = vector.broadcast %broadcast_in_dim3A_41 : i32 to vector<128x64xi32>
    %slice3A_43 = vector.extract_strided_slice %add3A_40 {offsets = [0, 0], sizes = [1920, 64], strides = [1, 1]} : vector<2048x64xi32> to vector<1920x64xi32>
    %concatenate3A_44 = tpu.concatenate %broadcast_in_dim3A_42, %slice3A_43 in 0 : vector<128x64xi32>, vector<1920x64xi32> -> vector<2048x64xi32>
    %add3A_45 = arith.addi %add3A_40, %concatenate3A_44 : vector<2048x64xi32>
    %broadcast_in_dim3A_46 = arith.constant 0 : i32
    %broadcast_in_dim3A_47 = vector.broadcast %broadcast_in_dim3A_46 : i32 to vector<256x64xi32>
    %slice3A_48 = vector.extract_strided_slice %add3A_45 {offsets = [0, 0], sizes = [1792, 64], strides = [1, 1]} : vector<2048x64xi32> to vector<1792x64xi32>
    %concatenate3A_49 = tpu.concatenate %broadcast_in_dim3A_47, %slice3A_48 in 0 : vector<256x64xi32>, vector<1792x64xi32> -> vector<2048x64xi32>
    %add3A_50 = arith.addi %add3A_45, %concatenate3A_49 : vector<2048x64xi32>
    %broadcast_in_dim3A_51 = arith.constant 0 : i32
    %broadcast_in_dim3A_52 = vector.broadcast %broadcast_in_dim3A_51 : i32 to vector<512x64xi32>
    %slice3A_53 = vector.extract_strided_slice %add3A_50 {offsets = [0, 0], sizes = [1536, 64], strides = [1, 1]} : vector<2048x64xi32> to vector<1536x64xi32>
    %concatenate3A_54 = tpu.concatenate %broadcast_in_dim3A_52, %slice3A_53 in 0 : vector<512x64xi32>, vector<1536x64xi32> -> vector<2048x64xi32>
    %add3A_55 = arith.addi %add3A_50, %concatenate3A_54 : vector<2048x64xi32>
    %broadcast_in_dim3A_56 = arith.constant 0 : i32
    %broadcast_in_dim3A_57 = vector.broadcast %broadcast_in_dim3A_56 : i32 to vector<1024x64xi32>
    %slice3A_58 = vector.extract_strided_slice %add3A_55 {offsets = [0, 0], sizes = [1024, 64], strides = [1, 1]} : vector<2048x64xi32> to vector<1024x64xi32>
    %concatenate3A_59 = tpu.concatenate %broadcast_in_dim3A_57, %slice3A_58 in 0 : vector<1024x64xi32>, vector<1024x64xi32> -> vector<2048x64xi32>
    %add3A_60 = arith.addi %add3A_55, %concatenate3A_59 : vector<2048x64xi32>
    %mul3A = arith.muli %add3A_60, %convert_element_type3A : vector<2048x64xi32>
    %reduce_sum3A = arith.constant dense<0> : vector<2048xi32>
    %reduce_sum3A_61 = vector.multi_reduction <add>, %mul3A, %reduce_sum3A [1] : vector<2048x64xi32> to vector<2048xi32>
    %sub3A = arith.constant 1 : i32
    %sub3A_62 = vector.broadcast %sub3A : i32 to vector<2048xi32>
    %sub3A_63 = arith.subi %reduce_sum3A_61, %sub3A_62 : vector<2048xi32>
    %lt3A = arith.constant 40 : i32
    %lt3A_64 = vector.broadcast %lt3A : i32 to vector<2048xi32>
    %lt3A_65 = arith.cmpi slt, %sub3A_63, %lt3A_64 : vector<2048xi32>
    %jit3A_66 = arith.constant 0 : i32
    %jit3A_67 = arith.constant 39 : i32
    %max3A = vector.broadcast %jit3A_66 : i32 to vector<2048xi32>
    %max3A_68 = arith.maxsi %max3A, %sub3A_63 : vector<2048xi32>
    %min3A = vector.broadcast %jit3A_67 : i32 to vector<2048xi32>
    %min3A_69 = arith.minsi %min3A, %max3A_68 : vector<2048xi32>
    %mul3A_70 = arith.constant 40 : i32
    %mul3A_71 = vector.broadcast %mul3A_70 : i32 to vector<2048xi32>
    %mul3A_72 = arith.muli %reduce_min3A_5, %mul3A_71 : vector<2048xi32>
    %add3A_73 = arith.addi %mul3A_72, %min3A_69 : vector<2048xi32>
    %jit3A_74 = arith.constant 0.000000e+00 : f32
    %broadcast_in_dim3A_75 = vector.broadcast %jit3A_74 : f32 to vector<2048xf32>
    %select_n3A_76 = arith.select %lt3A_65, %reduce_max3A_2, %broadcast_in_dim3A_75 : vector<2048xi1>, vector<2048xf32>
    %swap3A = arith.constant 0 : index
    %swap3A_77 = vector.load %arg1[%swap3A] : memref<2048xf32, #tpu.memory_space<vmem>>, vector<2048xf32>
    tpu.vector_store %arg1[%swap3A], %select_n3A_76 {strides = array<i32>} : memref<2048xf32, #tpu.memory_space<vmem>>, vector<2048xf32>,
    %jit3A_78 = arith.constant 2560 : i32
    %broadcast_in_dim3A_79 = vector.broadcast %jit3A_78 : i32 to vector<2048xi32>
    %select_n3A_80 = arith.select %lt3A_65, %add3A_73, %broadcast_in_dim3A_79 : vector<2048xi1>, vector<2048xi32>
    %swap3A_81 = arith.constant 0 : index
    %swap3A_82 = vector.load %arg2[%swap3A_81] : memref<2048xi32, #tpu.memory_space<vmem>>, vector<2048xi32>
    tpu.vector_store %arg2[%swap3A_81], %select_n3A_80 {strides = array<i32>} : memref<2048xi32, #tpu.memory_space<vmem>>, vector<2048xi32>,
    %swap3A_83 = arith.constant 0 : index
    %swap3A_84 = vector.load %arg3[%swap3A_83] : memref<2048xi32, #tpu.memory_space<vmem>>, vector<2048xi32>
    tpu.vector_store %arg3[%swap3A_83], %add3A_73 {strides = array<i32>} : memref<2048xi32, #tpu.memory_space<vmem>>, vector<2048xi32>,
    return
  }
}

module attributes {stable_mosaic.version = 14 : i64} {
  func.func @_ffn_body(%arg0: i32, %arg1: i32, %arg2: memref<40x768xf32, #tpu.memory_space<vmem>>, %arg3: memref<1x768x2048xf32, #tpu.memory_space<vmem>>, %arg4: memref<64x2048xf32, #tpu.memory_space<vmem>>, %arg5: memref<1x2048x768xf32, #tpu.memory_space<vmem>>, %arg6: memref<64x768xf32, #tpu.memory_space<vmem>>, %arg7: memref<40x768xf32, #tpu.memory_space<vmem>>) attributes {dimension_semantics = [#tpu.dimension_semantics<arbitrary>, #tpu.dimension_semantics<arbitrary>], iteration_bounds = array<i64: 64, 1>, scalar_prefetch = 0 : i64, scratch_operands = 0 : i64, tpu.core_type = #tpu.core_type<tc>, window_params = [{transform_indices = @transform_0, window_bounds = array<i64: 40, 768>}, {transform_indices = @transform_1, window_bounds = array<i64: 1, 768, 2048>}, {pipeline_mode = #tpu.pipeline_mode<synchronous>, transform_indices = @transform_2, window_bounds = array<i64: 64, 2048>}, {transform_indices = @transform_3, window_bounds = array<i64: 1, 2048, 768>}, {pipeline_mode = #tpu.pipeline_mode<synchronous>, transform_indices = @transform_4, window_bounds = array<i64: 64, 768>}, {transform_indices = @transform_5, window_bounds = array<i64: 40, 768>}]} {
    %get3A = arith.constant 0 : index
    %get3A_0 = arith.constant 0 : index
    %get3A_1 = vector.load %arg2[%get3A, %get3A_0] : memref<40x768xf32, #tpu.memory_space<vmem>>, vector<40x768xf32>
    %get3A_2 = arith.constant 0 : index
    %get3A_3 = arith.constant 0 : index
    %get3A_4 = arith.constant 0 : index
    %get3A_5 = vector.load %arg3[%get3A_2, %get3A_3, %get3A_4] : memref<1x768x2048xf32, #tpu.memory_space<vmem>>, vector<1x768x2048xf32>
    %get3A_6 = vector.shape_cast %get3A_5 : vector<1x768x2048xf32> to vector<768x2048xf32>
    %dot_general3A = arith.constant dense<0.000000e+00> : vector<40x2048xf32>
    %dot_general3A_7 = tpu.matmul %get3A_1, %get3A_6, %dot_general3A {dimension_numbers = #tpu.dot_dimension_numbers<[1], [0], [0], [1], [0, 0, 1, 1], [], []>, transpose_lhs_hint = false} : vector<40x768xf32>, vector<768x2048xf32>, vector<40x2048xf32> -> vector<40x2048xf32>
    %get3A_8 = arith.index_cast %arg0 : i32 to index
    %get3A_9 = arith.constant 0 : index
    %get3A_10 = vector.load %arg4[%get3A_8, %get3A_9] : memref<64x2048xf32, #tpu.memory_space<vmem>>, vector<1x2048xf32>
    %add3A = vector.broadcast %get3A_10 : vector<1x2048xf32> to vector<40x2048xf32>
    %add3A_11 = arith.addf %dot_general3A_7, %add3A : vector<40x2048xf32>
    %integer_pow3A = arith.mulf %add3A_11, %add3A_11 : vector<40x2048xf32>
    %integer_pow3A_12 = arith.mulf %add3A_11, %integer_pow3A : vector<40x2048xf32>
    %mul3A = arith.constant 4.471500e-02 : f32
    %mul3A_13 = vector.broadcast %mul3A : f32 to vector<40x2048xf32>
    %mul3A_14 = arith.mulf %mul3A_13, %integer_pow3A_12 : vector<40x2048xf32>
    %add3A_15 = arith.addf %add3A_11, %mul3A_14 : vector<40x2048xf32>
    %mul3A_16 = arith.constant 0.797884583 : f32
    %mul3A_17 = vector.broadcast %mul3A_16 : f32 to vector<40x2048xf32>
    %mul3A_18 = arith.mulf %mul3A_17, %add3A_15 : vector<40x2048xf32>
    %tanh3A = math.tanh %mul3A_18 : vector<40x2048xf32>
    %add3A_19 = arith.constant 1.000000e+00 : f32
    %add3A_20 = vector.broadcast %add3A_19 : f32 to vector<40x2048xf32>
    %add3A_21 = arith.addf %add3A_20, %tanh3A : vector<40x2048xf32>
    %mul3A_22 = arith.constant 5.000000e-01 : f32
    %mul3A_23 = vector.broadcast %mul3A_22 : f32 to vector<40x2048xf32>
    %mul3A_24 = arith.mulf %mul3A_23, %add3A_21 : vector<40x2048xf32>
    %mul3A_25 = arith.mulf %add3A_11, %mul3A_24 : vector<40x2048xf32>
    %get3A_26 = arith.constant 0 : index
    %get3A_27 = arith.constant 0 : index
    %get3A_28 = arith.constant 0 : index
    %get3A_29 = vector.load %arg5[%get3A_26, %get3A_27, %get3A_28] : memref<1x2048x768xf32, #tpu.memory_space<vmem>>, vector<1x2048x768xf32>
    %get3A_30 = vector.shape_cast %get3A_29 : vector<1x2048x768xf32> to vector<2048x768xf32>
    %dot_general3A_31 = arith.constant dense<0.000000e+00> : vector<40x768xf32>
    %dot_general3A_32 = tpu.matmul %mul3A_25, %get3A_30, %dot_general3A_31 {dimension_numbers = #tpu.dot_dimension_numbers<[1], [0], [0], [1], [0, 0, 1, 1], [], []>, transpose_lhs_hint = false} : vector<40x2048xf32>, vector<2048x768xf32>, vector<40x768xf32> -> vector<40x768xf32>
    %eq3A = arith.constant 0 : i32
    %eq3A_33 = arith.cmpi eq, %arg1, %eq3A : i32
    %convert_element_type3A = arith.extui %eq3A_33 : i1 to i32
    %cond3A = arith.constant 0 : i32
    %cond3A_34 = arith.cmpi ne, %convert_element_type3A, %cond3A : i32
    scf.if %cond3A_34 {
      %get3A_39 = arith.index_cast %arg0 : i32 to index
      %get3A_40 = arith.constant 0 : index
      %get3A_41 = vector.load %arg6[%get3A_39, %get3A_40] : memref<64x768xf32, #tpu.memory_space<vmem>>, vector<1x768xf32>
      %add3A_42 = vector.broadcast %get3A_41 : vector<1x768xf32> to vector<40x768xf32>
      %add3A_43 = arith.addf %dot_general3A_32, %add3A_42 : vector<40x768xf32>
      %swap3A = arith.constant 0 : index
      %swap3A_44 = arith.constant 0 : index
      %swap3A_45 = vector.load %arg7[%swap3A, %swap3A_44] : memref<40x768xf32, #tpu.memory_space<vmem>>, vector<40x768xf32>
      tpu.vector_store %arg7[%swap3A, %swap3A_44], %add3A_43 {strides = array<i32>} : memref<40x768xf32, #tpu.memory_space<vmem>>, vector<40x768xf32>,
    } else {
    }
    %ne3A = arith.constant 0 : i32
    %ne3A_35 = arith.cmpi ne, %arg1, %ne3A : i32
    %convert_element_type3A_36 = arith.extui %ne3A_35 : i1 to i32
    %cond3A_37 = arith.constant 0 : i32
    %cond3A_38 = arith.cmpi ne, %convert_element_type3A_36, %cond3A_37 : i32
    scf.if %cond3A_38 {
      %get3A_39 = arith.constant 0 : index
      %get3A_40 = arith.constant 0 : index
      %get3A_41 = vector.load %arg7[%get3A_39, %get3A_40] : memref<40x768xf32, #tpu.memory_space<vmem>>, vector<40x768xf32>
      %add3A_42 = arith.addf %get3A_41, %dot_general3A_32 : vector<40x768xf32>
      %swap3A = arith.constant 0 : index
      %swap3A_43 = arith.constant 0 : index
      %swap3A_44 = vector.load %arg7[%swap3A, %swap3A_43] : memref<40x768xf32, #tpu.memory_space<vmem>>, vector<40x768xf32>
      tpu.vector_store %arg7[%swap3A, %swap3A_43], %add3A_42 {strides = array<i32>} : memref<40x768xf32, #tpu.memory_space<vmem>>, vector<40x768xf32>,
    } else {
    }
    return
  }
  func.func @transform_0(%arg0: i32, %arg1: i32) -> (i32, i32) {
    %c0_i32 = arith.constant 0 : i32
    %c0_i32_0 = arith.constant 0 : i32
    return %arg0, %c0_i32 : i32, i32
  }
  func.func @transform_1(%arg0: i32, %arg1: i32) -> (i32, i32, i32) {
    %c0_i32 = arith.constant 0 : i32
    %c0_i32_0 = arith.constant 0 : i32
    return %arg0, %c0_i32, %arg1 : i32, i32, i32
  }
  func.func @transform_2(%arg0: i32, %arg1: i32) -> (i32, i32) {
    %c0_i32 = arith.constant 0 : i32
    %c0_i32_0 = arith.constant 0 : i32
    %c0_i32_1 = arith.constant 0 : i32
    return %c0_i32, %c0_i32_0 : i32, i32
  }
  func.func @transform_3(%arg0: i32, %arg1: i32) -> (i32, i32, i32) {
    %c0_i32 = arith.constant 0 : i32
    %c0_i32_0 = arith.constant 0 : i32
    return %arg0, %arg1, %c0_i32 : i32, i32, i32
  }
  func.func @transform_4(%arg0: i32, %arg1: i32) -> (i32, i32) {
    %c0_i32 = arith.constant 0 : i32
    %c0_i32_0 = arith.constant 0 : i32
    %c0_i32_1 = arith.constant 0 : i32
    return %c0_i32, %c0_i32_0 : i32, i32
  }
  func.func @transform_5(%arg0: i32, %arg1: i32) -> (i32, i32) {
    %c0_i32 = arith.constant 0 : i32
    %c0_i32_0 = arith.constant 0 : i32
    return %arg0, %c0_i32 : i32, i32
  }
}

</mosaic_0001>

<sc_bundles>
// kernel: kernel.6.cloned.1.call-start
scs
__scs_entry_jumppad:
0x0: {  	(pc) =	sbr.rel $0x88, $3  }
0x1: {  	(tag) =	ssettag $0x0;
	lr =	simm.s32 $0x1  }
0x2: {  	[smem:$0x3F9B] =	sst lr;
	_ =	strace $0xD0000000  }
0x3: {  	_ = 	snop  }
0x4: {  	_ = 	snop  }
0x5: {  	_ = 	snop  }
0x6: {  	_ = 	snop  }
0x7: {  	_ = 	snop  }
__scs_overlays_trampoline_lowered:
0x8: {  	[smem:$0x3FAA] =	sst s0  }
0x9: {  	[smem:$0x3FAB] =	sst s1  }
0xa: {  	[smem:$0x3FAC] =	sst s2  }
0xb: {  	[smem:$0x3FAD] =	sst s3  }
0xc: {  	[smem:$0x3FAE] =	sst s4  }
0xd: {  	[smem:$0x3FAF] =	sst s5  }
0xe: {  	[smem:$0x3FB0] =	sst s6  }
0xf: {  	[smem:$0x3FB1] =	sst s7  }
0x10: {  	[smem:$0x3FB2] =	sst s8  }
0x11: {  	[smem:$0x3FB3] =	sst s9;
	s0 =	simm.s32 @!p0 $0x0  }
0x12: {  	s1 =	sld [smem:$0x3F99];
	s0 =	simm.s32 @p0 $0x1  }
0x13: {  	[smem:$0x3FB4] =	sst s0;
	s0 =	simm.s32 @!p1 $0x0  }
0x14: {  	s2 =	sld [smem:$0x3F98];
	s0 =	simm.s32 @p1 $0x1  }
0x15: {  	[smem:$0x3FB5] =	sst s0;
	s0 =	simm.s32 @!p2 $0x0  }
0x16: {  	s3 =	sld [smem:$0x3FDB];
	s0 =	simm.s32 @p2 $0x1  }
0x17: {  	s4 =	simm.s32 $0x1BF5;
	[smem:$0x3FB7] =	sst s0  }
0x18: {  	s0 =	sld [smem:$0x3F9A];
	_ =	swait.ge [sflag:s4], $0x0  }
0x19: {  	s7 =	sld [smem:$0x3F9B]  }
0x1a: {  	s8 =	sadd.s32 $0xFFFFE003, lr  }
0x1b: {  	s9 =	sadd.s32 $0xFFFFFEF7, lr;
	s5 =	simm.s32 $0xFFFFFFFF;
	p2 =	slt.u32 s8, $0xFFFFF086  }
0x1c: {  	p1 =	slt.u32 s9, $0xF7A;
	s5 =	simm.s32 @!p2 $0x0  }
0x1d: {  	s5 =	simm.s32 @p1 $0x1;
	p0 =	seq.s32 s7, s2  }
0x1e: {  	s7 =	smul.u32 @!p0 $0xF7A, s2;
	p2 =	seq.s32 @!p0 s5, $0x0  }
0x1f: {  	s9 =	smul.u32 $0xF7A, s1;
	s8 =	simm.s32 @!p0 $0x1BF5;
	p2 =	por !p2, p0  }
0x20: {  	[sflag:s8] =	ssyncset.s32 @!p0 $0xFFFFF086;
	s6 =	sadd.s32 @!p0 s3, s7;
	s7 =	simm.s32 @!p0 $0x108  }
0x21: {  	s3 =	sadd.s32 s3, s9;
	s6 =	sadd.s32 @!p0 $0x88, s6;
	s7 =	simm.s32 @p2 $0x1082  }
0x22: {  	[simem:s7], [sflag:s8] =	dma.local @!p0 [hbm:s6], $0xF7A  }
0x23: {  	s9 =	sor.u32 $0xD0000000, s2;
	s6 =	simm.s32 $0x108;
	_ =	swait.ge @!p0 [sflag:s8], $0x0  }
0x24: {  	s3 =	sadd.s32 $0x88, s3;
	s6 =	simm.s32 @!p1 $0x1082;
	[sflag:s4] =	ssyncset.s32 $0xFFFFF086  }
0x25: {  	[simem:s6], [sflag:s4] =	dma.local [hbm:s3], $0xF7A  }
0x26: {  	[smem:$0x3F9B] =	sst s1;
	(tag) =	ssettag s2;
	_ =	strace s9  }
0x27: {  	s1 =	sld [smem:$0x3FAB]  }
0x28: {  	s2 =	sld [smem:$0x3FAC]  }
0x29: {  	s4 =	sld [smem:$0x3FAE]  }
0x2a: {  	p0 =	seq.s32 s5, $0x0;
	s5 =	sld [smem:$0x3FAF]  }
0x2b: {  	s6 =	sld [smem:$0x3FB0]  }
0x2c: {  	s7 =	sld [smem:$0x3FB1]  }
0x2d: {  	s3 =	simm.s32 $0x108;
	s8 =	sld [smem:$0x3FB2]  }
0x2e: {  	s3 =	simm.s32 @!p0 $0x1082;
	s9 =	sld [smem:$0x3FB3]  }
0x2f: {  	lr =	sadd.s32 s0, s3;
	s0 =	sld [smem:$0x3FAA]  }
0x30: {  	s3 =	sld [smem:$0x3FAD]  }
0x31: {  	[smem:$0x3FB6] =	sst s10  }
0x32: {  	s10 =	sld [smem:$0x3FB4];
	_ =	sdelay $0x3  }
0x33: {  	p0 =	seq.s32 s10, $0x1;
	s10 =	sld [smem:$0x3FB6];
	_ =	sdelay $0x3  }
0x34: {  	[smem:$0x3FB6] =	sst s10  }
0x35: {  	s10 =	sld [smem:$0x3FB5];
	_ =	sdelay $0x3  }
0x36: {  	p1 =	seq.s32 s10, $0x1;
	s10 =	sld [smem:$0x3FB6];
	_ =	sdelay $0x3  }
0x37: {  	[smem:$0x3FB6] =	sst s10  }
0x38: {  	s10 =	sld [smem:$0x3FB7]  }
0x39: {  	_ = 	snop;
	(pc) =	sbr.ind lr, $3  }
0x3a: {  	_ = 	snop  }
0x3b: {  	_ = 	snop  }
0x3c: {  	p2 =	seq.s32 s10, $0x1;
	s10 =	sld [smem:$0x3FB6]  }
0x3d: {  	_ =	shalt  }
0x3e: {  	_ =	shalt  }
0x3f: {  	_ =	shalt  }
0x40: {  	_ =	shalt  }
0x41: {  	_ =	shalt  }
0x42: {  	_ =	shalt  }
0x43: {  	_ =	shalt  }
0x44: {  	_ =	shalt  }
0x45: {  	_ =	shalt  }
0x46: {  	_ =	shalt  }
0x47: {  	_ =	shalt  }
0x48: {  	_ =	shalt  }
0x49: {  	_ =	shalt  }
0x4a: {  	_ =	shalt  }
0x4b: {  	_ =	shalt  }
0x4c: {  	_ =	shalt  }
0x4d: {  	_ =	shalt  }
0x4e: {  	_ =	shalt  }
0x4f: {  	_ =	shalt  }
0x50: {  	_ =	shalt  }
0x51: {  	_ =	shalt  }
0x52: {  	_ =	shalt  }
0x53: {  	_ =	shalt  }
0x54: {  	_ =	shalt  }
0x55: {  	_ =	shalt  }
0x56: {  	_ =	shalt  }
0x57: {  	_ =	shalt  }
0x58: {  	_ =	shalt  }
0x59: {  	_ =	shalt  }
0x5a: {  	_ =	shalt  }
0x5b: {  	_ =	shalt  }
0x5c: {  	_ =	shalt  }
0x5d: {  	_ =	shalt  }
0x5e: {  	_ =	shalt  }
0x5f: {  	_ =	shalt  }
0x60: {  	_ =	shalt  }
0x61: {  	_ =	shalt  }
0x62: {  	_ =	shalt  }
0x63: {  	_ =	shalt  }
0x64: {  	_ =	shalt  }
0x65: {  	_ =	shalt  }
0x66: {  	_ =	shalt  }
0x67: {  	_ =	shalt  }
0x68: {  	_ =	shalt  }
0x69: {  	_ =	shalt  }
0x6a: {  	_ =	shalt  }
0x6b: {  	_ =	shalt  }
0x6c: {  	_ =	shalt  }
0x6d: {  	_ =	shalt  }
0x6e: {  	_ =	shalt  }
0x6f: {  	_ =	shalt  }
0x70: {  	_ =	shalt  }
0x71: {  	_ =	shalt  }
0x72: {  	_ =	shalt  }
0x73: {  	_ =	shalt  }
0x74: {  	_ =	shalt  }
0x75: {  	_ =	shalt  }
0x76: {  	_ =	shalt  }
0x77: {  	_ =	shalt  }
0x78: {  	_ =	shalt  }
0x79: {  	_ =	shalt  }
0x7a: {  	_ =	shalt  }
0x7b: {  	_ =	shalt  }
0x7c: {  	_ =	shalt  }
0x7d: {  	_ =	shalt  }
0x7e: {  	_ =	shalt  }
0x7f: {  	_ =	shalt  }
0x80: {  	_ =	shalt  }
0x81: {  	_ =	shalt  }
0x82: {  	_ =	shalt  }
0x83: {  	_ =	shalt  }
0x84: {  	_ =	shalt  }
0x85: {  	_ =	shalt  }
0x86: {  	_ =	shalt  }
0x87: {  	_ =	shalt  }
.Lfunc_end0:
.L_simem_size_0:
called_computation_lowered:
.L_overlay_start_0:
0x88: {  	s2 =	sld [smem:$0x3FD9]  }
0x89: {  	s3 =	sld [smem:$0x3FFE];
	_ =	sdelay $0x1  }
0x8a: {  	s1 =	srdreg.scid  }
0x8b: {  	s0 =	sand.u32 $0x1, s1  }
0x8c: {  	s17 =	sshll.u32 s0, $0xA;
	s2 =	sadd.s32 s3, s2  }
0x8d: {  	s2 =	sadd.s32 s2, s17  }
0x8e: {  	[smem:$0x3FC2] =	sst s2  }
0x8f: {  	_ = 	snop  }
0x90: {  	s2 =	sld [smem:$0x3FC9]  }
0x91: {  	s18 =	sld [smem:$0x3FD0];
	(tm) =	ssettm $0x1  }
0x92: {  	s4 =	sld [smem:$0x3FFB];
	_ =	sdelay $0x3  }
0x93: {  	_ =	strace s4  }
0x94: {  	s4 =	sld [smem:$0x3FFC];
	_ =	sdelay $0x3  }
0x95: {  	_ =	strace s4  }
0x96: {  	s4 =	sld [smem:$0x3FFD];
	_ =	sdelay $0x3  }
0x97: {  	_ =	strace s4  }
0x98: {  	_ =	strace $0x8FFFFFFF  }
0x99: {  	s19 =	sld [smem:$0x3FDB];
	_ =	sdelay $0x1  }
0x9a: {  	s5 =	simm.s32 $_scs_section_size  }
0x9b: {  	s6 =	simm.s32 $_size__tile_overlayer_lowered;
	s7 =	simm.s32 $_tile_overlayer_lowered  }
0x9c: {  	s22 =	simm.s32 $0x1BFF;
	s21 =	sshll.u32 s7, $0x1;
	s4 =	sadd.s32 s5, s19  }
0x9d: {  	s8 =	simm.s32 $0x0;
	s20 =	sshll.u32 s6, $0x1;
	s6 =	sadd.s32 s21, s4  }
0x9e: {  	[timem:s8], [sflag:s22] =	dma.local [hbm:s6], s20  }
0x9f: {  	_ =	swait.ge [sflag:s22], s20  }
0xa0: {  	s5 =	ssub.s32 $0x0, s20;
	[sflag:s22] =	ssyncset.done $0x0  }
0xa1: {  	[sflag:s22] =	ssyncadd.s32 s5;
	_ =	sdelay $0x1  }
0xa2: {  	s23 =	simm.s32 $0x1B8B  }
0xa3: {  	_ =	swait.ge [sflag:s23], $0x1  }
0xa4: {  	[sflag:s23] =	ssyncset.done $0x0  }
0xa5: {  	s25 =	simm.s32 $0x1B8E;
	s24 =	sld [smem:$0x3FFE];
	[sflag:s23] =	ssyncadd.s32 $0xFFFFFFFF  }
0xa6: {  	s26 =	simm.s32 $execute0_lowered;
	[smem:$0x3FD2] =	sst s25  }
0xa7: {  	s6 =	sshll.u32 s26, $0x1;
	_ =	strace $0x80000046;
	[dreg:$0x1] =	wrdreg $0xFFFFFFFF  }
0xa8: {  	s28 =	simm.s32 $_size_execute0_lowered;
	s4 =	sadd.s32 s4, s6;
	[dreg:$0x0] =	wrdreg $0x0  }
0xa9: {  	s6 =	sshll.u32 s28, $0x1;
	[dreg:$0x2] =	wrdreg s4  }
0xaa: {  	[dreg:$0x3] =	wrdreg s6  }
0xab: {  	[dreg:$0x4] =	wrdreg $0xC0  }
0xac: {  	_ =	task [dreg:s8], $0x5FFFF  }
0xad: {  	[dreg:$0x1] =	wrdreg $0xFFFFFFFF  }
0xae: {  	[dreg:$0x0] =	wrdreg $0x60  }
0xaf: {  	[dreg:$0x2] =	wrdreg s2  }
0xb0: {  	[dreg:$0x3] =	wrdreg s18  }
0xb1: {  	[dreg:$0x4] =	wrdreg s24  }
0xb2: {  	[dreg:$0x5] =	wrdreg $0x9  }
0xb3: {  	_ =	task.clear_ibuf [dreg:s8], $0x6FFFF;
	_ =	strace $0x90000046  }
0xb4: {  	s29 =	simm.s32 $0x9;
	_ =	strace $0x80000048  }
0xb5: {  	_ =	swait.ge [sflag:s29], $0x1  }
0xb6: {  	[sflag:s29] =	ssyncadd.s32 $0xFFFFFFFF  }
0xb7: {  	_ =	strace $0x90000048  }
0xb8: {  	_ =	sfence  }
0xb9: {  	s30 =	sld [smem:$0x0];
	_ =	sdelay $0x2  }
0xba: {  	s31 =	sshll.u32 s1, $0xD;
	s1 =	sshrl.u32 s1, $0x2  }
0xbb: {  	s3 =	sand.u32 $0x4000, s31;
	s1 =	sadd.s32 s1, s30  }
0xbc: {  	s0 =	sor.u32 s3, s0;
	s1 =	sshll.u32 s1, $0x11  }
0xbd: {  	s0 =	sor.u32 s1, s0  }
0xbe: {  	s0 =	sadd.s32 $0x8F2B, s0  }
0xbf: {  	[sflag:s0] =	ssyncadd.remote.s32 $0x1  }
0xc0: {  	_ =	sfence.sel $0xFFFF  }
0xc1: {  	[dreg:$0x0] =	wrdreg $0xFFFFFFFF;
	(pc) =	sbr.abs _section_cstart, $3  }
0xc2: {  	[dreg:$0x1] =	wrdreg $0xFFFFFFFF  }
0xc3: {  	_ =	task.clear_ibuf [dreg:s8], $0x2FFFF;
	_ =	strace $0x9FFFFFFF  }
0xc4: {  	(tm) =	ssettm $0x7FFFFFFF  }
0xc5: {  	_ =	shalt  }
tec
execute0_lowered:
.L_overlay_start_1:
0x0: {  	(tag) =	ssettag $0x1  }
0x1: {  	s1 =	rddreg [dreg:$0x0]  }
0x2: {  	s2 =	srdreg.scid;
	s3 =	rddreg [dreg:$0x1]  }
0x3: {  	s0 =	stileid.u32;
	s5 =	rddreg [dreg:$0x2];
	s8 =	simm.s32 $0x80  }
0x4: {  	s26 =	simm.s32 $0x880;
	s9 =	simm.s32 $0x1080;
	s10 =	simm.s32 $0x1880  }
0x5: {  	s11 =	simm.s32 $0x2080;
	s12 =	simm.s32 $0x2880;
	s13 =	simm.s32 $0x3080  }
0x6: {  	s14 =	simm.s32 $0x3880;
	s15 =	simm.s32 $0x4080;
	s16 =	simm.s32 $0x4880  }
0x7: {  	s17 =	simm.s32 $0x5080;
	s18 =	simm.s32 $0x5880;
	s19 =	simm.s32 $0x6080  }
0x8: {  	s20 =	simm.s32 $0x6880;
	s21 =	simm.s32 $0x7080;
	s22 =	simm.s32 $0x7880  }
0x9: {  	s23 =	simm.s32 $0x8080;
	s24 =	simm.s32 $0x8880;
	s28 =	simm.s32 $0xA080  }
0xa: {  	s29 =	simm.s32 $0xA880;
	s30 =	simm.s32 $0xB080;
	s31 =	simm.s32 $0xB880  }
0xb: {  	s4 =	sand.u32 $0x1, s2;
	s6 =	sshll.u32 s0, $0x4;
	s2 =	simm.s32 $0x0  }
0xc: {  	s7 =	sshll.u32 s4, $0x3;
	[smem:$0x7FF] =	sst s2;
	s4 =	ssub.s32 $0x2, s4  }
0xd: {  	s6 =	sor.u32 s7, s6;
	_ =	strace $0x80000047;
	s25 =	sshrl.u32 s4, $0x1  }
0xe: {  	[dreg:$0x6] =	wrdreg s26;
	s26 =	simm.s32 $0x9880;
	s7 =	smul.u32 $0x300, s6  }
0xf: {  	s3 =	sadd.s32 s3, s6;
	s6 =	ssub.s32 s4, s25;
	s4 =	sadd.s32 $0x1700, s5  }
0x10: {  	v2 =	vlaneseq.u32;
	s25 =	simm.s32 $0x9080;
	[dreg:$0x4] =	wrdreg s3;
	s3 =	sadd.s32 $0x1600, s5  }
0x11: {  	vm0 =	vmmov $0xffff;
	v1 =	vshrl.u32 v2, $0x3;
	s5 =	sadd.s32 $0x1800, s5;
	s6 =	smax.u32 s6, $0x1;
	s1 =	sadd.s32 s1, s7  }
0x12: {  	v0 =	vand.u32 $0x7, v2;
	v2 =	vor.u32 $0x8, v2;
	v1 =	vmul.u32 $0x8, v1;
	s7 =	simm.s32 $0x2;
	[dreg:$0x5] =	wrdreg s1;
	s1 =	simm.s32 $0x1  }
.LBB2_1:
0x13: {  	s0 =	rddreg [dreg:$0x4]  }
0x14: {  	[tilespmem:s2], [sflag:$0x2] =	stream.linear.gather [hbm4b:s0+s2], $0x40, $0x38;
	[tilespmem:$0xC080] =	vst v63  }
0x15: {  	_ =	swait.ge [sflag:s7], $0x40  }
0x16: {  	[sflag:s7] =	ssyncset.done $0x0  }
0x17: {  	s0 =	rddreg [dreg:$0x5];
	[sflag:s7] =	ssyncadd.s32 $0xFFFFFFC0  }
0x18: {  	[tilespmem:s8], [sflag:$0x2] =	stream.linear.gather [hbm4b:s0+s2], $0xC000, $0x38;
	[tilespmem:$0xC080] =	vst v63  }
0x19: {  	_ =	swait.ge [sflag:s7], $0xC000  }
0x1a: {  	[sflag:s7] =	ssyncset.done $0x0  }
0x1b: {  	[sflag:s7] =	ssyncadd.s32 $0xFFFF4000  }
0x1c: {  	v3 =	vld [tilespmem:$0x0];
	_ =	sdelay $0x4  }
0x1d: {  	v4 =	vshrl.u32 v3, $0x3  }
0x1e: {  	v4 =	vmul.u32 $0x30, v4  }
0x1f: {  	v3 =	vand.u32 $0x7, v3  }
0x20: {  	v3 =	vor.u32 v3, v4  }
0x21: {  	v4 =	vperm.xlane v3, v0;
	_ =	sdelay $0x1  }
0x22: {  	v4 =	vadd.s32 v1, v4;
	_ =	sdelay $0x3  }
0x23: {  	v3 =	vperm.xlane v3, v2  }
0x24: {  	[hbm4b:s3+s2] =	stream.indirect_vreg.scatter [tilespmem:s8], [sflag:$0x1], $0x80, v4, vm0, $0xb8;
	[tilespmem:$0xC080] =	vst v63  }
0x25: {  	s0 =	rddreg [dreg:$0x6];
	v3 =	vadd.s32 v1, v3  }
0x26: {  	[hbm4b:s4+s2] =	stream.indirect_vreg.scatter [tilespmem:s0], [sflag:$0x1], $0x80, v4, vm0, $0xb8;
	[tilespmem:$0xC080] =	vst v63  }
0x27: {  	_ = 	snop  }
0x28: {  	[hbm4b:s5+s2] =	stream.indirect_vreg.scatter [tilespmem:s9], [sflag:$0x1], $0x80, v4, vm0, $0xb8;
	[tilespmem:$0xC080] =	vst v63  }
0x29: {  	_ = 	snop  }
0x2a: {  	[hbm4b:s3+s2] =	stream.indirect_vreg.scatter [tilespmem:s10], [sflag:$0x1], $0x80, v3, vm0, $0xb8;
	[tilespmem:$0xC080] =	vst v63  }
0x2b: {  	_ = 	snop  }
0x2c: {  	[hbm4b:s4+s2] =	stream.indirect_vreg.scatter [tilespmem:s11], [sflag:$0x1], $0x80, v3, vm0, $0xb8;
	[tilespmem:$0xC080] =	vst v63  }
0x2d: {  	_ = 	snop  }
0x2e: {  	[hbm4b:s5+s2] =	stream.indirect_vreg.scatter [tilespmem:s12], [sflag:$0x1], $0x80, v3, vm0, $0xb8;
	[tilespmem:$0xC080] =	vst v63  }
0x2f: {  	v3 =	vld [tilespmem:$0x10];
	_ =	sdelay $0x4  }
0x30: {  	v61 =	vshrl.u32 v3, $0x3  }
0x31: {  	v4 =	vmul.u32 $0x30, v61  }
0x32: {  	v3 =	vand.u32 $0x7, v3  }
0x33: {  	v3 =	vor.u32 v3, v4  }
0x34: {  	v4 =	vperm.xlane v3, v0;
	_ =	sdelay $0x1  }
0x35: {  	v4 =	vadd.s32 v1, v4;
	_ =	sdelay $0x3  }
0x36: {  	v3 =	vperm.xlane v3, v2  }
0x37: {  	[hbm4b:s3+s2] =	stream.indirect_vreg.scatter [tilespmem:s13], [sflag:$0x1], $0x80, v4, vm0, $0xb8;
	[tilespmem:$0xC080] =	vst v63  }
0x38: {  	v3 =	vadd.s32 v1, v3  }
0x39: {  	[hbm4b:s4+s2] =	stream.indirect_vreg.scatter [tilespmem:s14], [sflag:$0x1], $0x80, v4, vm0, $0xb8;
	[tilespmem:$0xC080] =	vst v63  }
0x3a: {  	_ = 	snop  }
0x3b: {  	[hbm4b:s5+s2] =	stream.indirect_vreg.scatter [tilespmem:s15], [sflag:$0x1], $0x80, v4, vm0, $0xb8;
	[tilespmem:$0xC080] =	vst v63  }
0x3c: {  	_ = 	snop  }
0x3d: {  	[hbm4b:s3+s2] =	stream.indirect_vreg.scatter [tilespmem:s16], [sflag:$0x1], $0x80, v3, vm0, $0xb8;
	[tilespmem:$0xC080] =	vst v63  }
0x3e: {  	_ = 	snop  }
0x3f: {  	[hbm4b:s4+s2] =	stream.indirect_vreg.scatter [tilespmem:s17], [sflag:$0x1], $0x80, v3, vm0, $0xb8;
	[tilespmem:$0xC080] =	vst v63  }
0x40: {  	_ = 	snop  }
0x41: {  	[hbm4b:s5+s2] =	stream.indirect_vreg.scatter [tilespmem:s18], [sflag:$0x1], $0x80, v3, vm0, $0xb8;
	[tilespmem:$0xC080] =	vst v63  }
0x42: {  	v3 =	vld [tilespmem:$0x20];
	_ =	sdelay $0x4  }
0x43: {  	v62 =	vshrl.u32 v3, $0x3  }
0x44: {  	v4 =	vmul.u32 $0x30, v62  }
0x45: {  	v3 =	vand.u32 $0x7, v3  }
0x46: {  	v3 =	vor.u32 v3, v4  }
0x47: {  	v4 =	vperm.xlane v3, v0;
	_ =	sdelay $0x1  }
0x48: {  	v4 =	vadd.s32 v1, v4;
	_ =	sdelay $0x3  }
0x49: {  	v3 =	vperm.xlane v3, v2  }
0x4a: {  	[hbm4b:s3+s2] =	stream.indirect_vreg.scatter [tilespmem:s19], [sflag:$0x1], $0x80, v4, vm0, $0xb8;
	[tilespmem:$0xC080] =	vst v63  }
0x4b: {  	v3 =	vadd.s32 v1, v3  }
0x4c: {  	[hbm4b:s4+s2] =	stream.indirect_vreg.scatter [tilespmem:s20], [sflag:$0x1], $0x80, v4, vm0, $0xb8;
	[tilespmem:$0xC080] =	vst v63  }
0x4d: {  	_ = 	snop  }
0x4e: {  	[hbm4b:s5+s2] =	stream.indirect_vreg.scatter [tilespmem:s21], [sflag:$0x1], $0x80, v4, vm0, $0xb8;
	[tilespmem:$0xC080] =	vst v63  }
0x4f: {  	_ = 	snop  }
0x50: {  	[hbm4b:s3+s2] =	stream.indirect_vreg.scatter [tilespmem:s22], [sflag:$0x1], $0x80, v3, vm0, $0xb8;
	[tilespmem:$0xC080] =	vst v63  }
0x51: {  	_ = 	snop  }
0x52: {  	[hbm4b:s4+s2] =	stream.indirect_vreg.scatter [tilespmem:s23], [sflag:$0x1], $0x80, v3, vm0, $0xb8;
	[tilespmem:$0xC080] =	vst v63  }
0x53: {  	_ = 	snop  }
0x54: {  	[hbm4b:s5+s2] =	stream.indirect_vreg.scatter [tilespmem:s24], [sflag:$0x1], $0x80, v3, vm0, $0xb8;
	[tilespmem:$0xC080] =	vst v63  }
0x55: {  	v3 =	vld [tilespmem:$0x30];
	_ =	sdelay $0x4  }
0x56: {  	v63 =	vshrl.u32 v3, $0x3  }
0x57: {  	v4 =	vmul.u32 $0x30, v63  }
0x58: {  	v3 =	vand.u32 $0x7, v3  }
0x59: {  	v3 =	vor.u32 v3, v4  }
0x5a: {  	v4 =	vperm.xlane v3, v0;
	_ =	sdelay $0x1  }
0x5b: {  	v4 =	vadd.s32 v1, v4;
	_ =	sdelay $0x3  }
0x5c: {  	v3 =	vperm.xlane v3, v2  }
0x5d: {  	[hbm4b:s3+s2] =	stream.indirect_vreg.scatter [tilespmem:s25], [sflag:$0x1], $0x80, v4, vm0, $0xb8;
	[tilespmem:$0xC080] =	vst v63  }
0x5e: {  	v3 =	vadd.s32 v1, v3  }
0x5f: {  	[hbm4b:s4+s2] =	stream.indirect_vreg.scatter [tilespmem:s26], [sflag:$0x1], $0x80, v4, vm0, $0xb8;
	[tilespmem:$0xC080] =	vst v63  }
0x60: {  	_ = 	snop  }
0x61: {  	[hbm4b:s5+s2] =	stream.indirect_vreg.scatter [tilespmem:s28], [sflag:$0x1], $0x80, v4, vm0, $0xb8;
	[tilespmem:$0xC080] =	vst v63  }
0x62: {  	_ = 	snop  }
0x63: {  	[hbm4b:s3+s2] =	stream.indirect_vreg.scatter [tilespmem:s29], [sflag:$0x1], $0x80, v3, vm0, $0xb8;
	[tilespmem:$0xC080] =	vst v63  }
0x64: {  	p0 =	sne.s32 s6, $0x1  }
0x65: {  	[hbm4b:s4+s2] =	stream.indirect_vreg.scatter [tilespmem:s30], [sflag:$0x1], $0x80, v3, vm0, $0xb8;
	[tilespmem:$0xC080] =	vst v63  }
.Ltmp0:
0x66: {  	_ = 	snop;
	(pc) =	sbr.rel @p0 .LBB2_1-.Ltmp0, $4  }
0x67: {  	[hbm4b:s5+s2] =	stream.indirect_vreg.scatter [tilespmem:s31], [sflag:$0x1], $0x80, v3, vm0, $0xb8;
	[tilespmem:$0xC080] =	vst v63  }
0x68: {  	_ =	swait.ge [sflag:s1], $0xC000  }
0x69: {  	[sflag:s1] =	ssyncset.done $0x0  }
0x6a: {  	s6 =	sadd.s32 $0xFFFFFFFF, s6;
	[sflag:s1] =	ssyncadd.s32 $0xFFFF4000  }
0x6b: {  	_ =	sfence.sel $0x180000  }
0x6c: {  	[bflag:$0x0] =	sbarrier.arrive $0xFFFF  }
0x6d: {  	_ =	strace $0x90000047  }
0x6e: {  	s0 =	stileid.u32;
	[bflag:$0x2] =	sbarrier.arrive $0xFFFF  }
0x6f: {  	p0 =	sne.s32 s0, $0x0;
	s0 =	rddreg [dreg:$0x3]  }
0x70: {  	s0 =	sadd.s32 @!p0 $0x100000, s0  }
0x71: {  	[sflag:s0] =	ssyncadd.tile.s32 @!p0 $0x1;
	_ =	shalt  }
.Lfunc_end2:
_tile_overlayer_lowered:
.L_overlay_start_2:
0x72: {  	(tag) =	ssettag $0x2  }
0x73: {  	s0 =	rddreg [dreg:$0x0];
	s2 =	stileid.u32  }
0x74: {  	s1 =	rddreg [dreg:$0x1];
	p0 =	sne.s32 s2, $0x0  }
0x75: {  	s3 =	rddreg [dreg:$0x2];
	[bflag:$0x3] =	sbarrier.arrive $0xFFFF;
	s2 =	simm.s32 @!p0 $0x1C02  }
0x76: {  	[timem:s3], [sflag:s2] =	dma.local @!p0 [hbm:s0], s1  }
0x77: {  	s0 =	simm.s32 @!p0 $0x2  }
0x78: {  	_ =	swait.ge @!p0 [sflag:s0], s1  }
0x79: {  	s1 =	ssub.s32 @!p0 $0x0, s1;
	[sflag:s0] =	ssyncset.done @!p0 $0x0  }
0x7a: {  	[sflag:s0] =	ssyncadd.s32 @!p0 s1  }
0x7b: {  	[bflag:$0x3] =	sbarrier.arrive $0xFFFF  }
0x7c: {  	_ =	shalt  }

// kernel: kernel.9.cloned.1.call-start
scs
__scs_entry_jumppad:
0x0: {  	(pc) =	sbr.rel $0x88, $3  }
0x1: {  	(tag) =	ssettag $0x0;
	lr =	simm.s32 $0x1  }
0x2: {  	[smem:$0x3F9B] =	sst lr;
	_ =	strace $0xD0000000  }
0x3: {  	_ = 	snop  }
0x4: {  	_ = 	snop  }
0x5: {  	_ = 	snop  }
0x6: {  	_ = 	snop  }
0x7: {  	_ = 	snop  }
__scs_overlays_trampoline_lowered:
0x8: {  	[smem:$0x3FAA] =	sst s0  }
0x9: {  	[smem:$0x3FAB] =	sst s1  }
0xa: {  	[smem:$0x3FAC] =	sst s2  }
0xb: {  	[smem:$0x3FAD] =	sst s3  }
0xc: {  	[smem:$0x3FAE] =	sst s4  }
0xd: {  	[smem:$0x3FAF] =	sst s5  }
0xe: {  	[smem:$0x3FB0] =	sst s6  }
0xf: {  	[smem:$0x3FB1] =	sst s7  }
0x10: {  	[smem:$0x3FB2] =	sst s8  }
0x11: {  	[smem:$0x3FB3] =	sst s9;
	s0 =	simm.s32 @!p0 $0x0  }
0x12: {  	s1 =	sld [smem:$0x3F99];
	s0 =	simm.s32 @p0 $0x1  }
0x13: {  	[smem:$0x3FB4] =	sst s0;
	s0 =	simm.s32 @!p1 $0x0  }
0x14: {  	s2 =	sld [smem:$0x3F98];
	s0 =	simm.s32 @p1 $0x1  }
0x15: {  	[smem:$0x3FB5] =	sst s0;
	s0 =	simm.s32 @!p2 $0x0  }
0x16: {  	s3 =	sld [smem:$0x3FDB];
	s0 =	simm.s32 @p2 $0x1  }
0x17: {  	s4 =	simm.s32 $0x1BF5;
	[smem:$0x3FB7] =	sst s0  }
0x18: {  	s0 =	sld [smem:$0x3F9A];
	_ =	swait.ge [sflag:s4], $0x0  }
0x19: {  	s7 =	sld [smem:$0x3F9B]  }
0x1a: {  	s8 =	sadd.s32 $0xFFFFE003, lr  }
0x1b: {  	s9 =	sadd.s32 $0xFFFFFEF7, lr;
	s5 =	simm.s32 $0xFFFFFFFF;
	p2 =	slt.u32 s8, $0xFFFFF086  }
0x1c: {  	p1 =	slt.u32 s9, $0xF7A;
	s5 =	simm.s32 @!p2 $0x0  }
0x1d: {  	s5 =	simm.s32 @p1 $0x1;
	p0 =	seq.s32 s7, s2  }
0x1e: {  	s7 =	smul.u32 @!p0 $0xF7A, s2;
	p2 =	seq.s32 @!p0 s5, $0x0  }
0x1f: {  	s9 =	smul.u32 $0xF7A, s1;
	s8 =	simm.s32 @!p0 $0x1BF5;
	p2 =	por !p2, p0  }
0x20: {  	[sflag:s8] =	ssyncset.s32 @!p0 $0xFFFFF086;
	s6 =	sadd.s32 @!p0 s3, s7;
	s7 =	simm.s32 @!p0 $0x108  }
0x21: {  	s3 =	sadd.s32 s3, s9;
	s6 =	sadd.s32 @!p0 $0x88, s6;
	s7 =	simm.s32 @p2 $0x1082  }
0x22: {  	[simem:s7], [sflag:s8] =	dma.local @!p0 [hbm:s6], $0xF7A  }
0x23: {  	s9 =	sor.u32 $0xD0000000, s2;
	s6 =	simm.s32 $0x108;
	_ =	swait.ge @!p0 [sflag:s8], $0x0  }
0x24: {  	s3 =	sadd.s32 $0x88, s3;
	s6 =	simm.s32 @!p1 $0x1082;
	[sflag:s4] =	ssyncset.s32 $0xFFFFF086  }
0x25: {  	[simem:s6], [sflag:s4] =	dma.local [hbm:s3], $0xF7A  }
0x26: {  	[smem:$0x3F9B] =	sst s1;
	(tag) =	ssettag s2;
	_ =	strace s9  }
0x27: {  	s1 =	sld [smem:$0x3FAB]  }
0x28: {  	s2 =	sld [smem:$0x3FAC]  }
0x29: {  	s4 =	sld [smem:$0x3FAE]  }
0x2a: {  	p0 =	seq.s32 s5, $0x0;
	s5 =	sld [smem:$0x3FAF]  }
0x2b: {  	s6 =	sld [smem:$0x3FB0]  }
0x2c: {  	s7 =	sld [smem:$0x3FB1]  }
0x2d: {  	s3 =	simm.s32 $0x108;
	s8 =	sld [smem:$0x3FB2]  }
0x2e: {  	s3 =	simm.s32 @!p0 $0x1082;
	s9 =	sld [smem:$0x3FB3]  }
0x2f: {  	lr =	sadd.s32 s0, s3;
	s0 =	sld [smem:$0x3FAA]  }
0x30: {  	s3 =	sld [smem:$0x3FAD]  }
0x31: {  	[smem:$0x3FB6] =	sst s10  }
0x32: {  	s10 =	sld [smem:$0x3FB4];
	_ =	sdelay $0x3  }
0x33: {  	p0 =	seq.s32 s10, $0x1;
	s10 =	sld [smem:$0x3FB6];
	_ =	sdelay $0x3  }
0x34: {  	[smem:$0x3FB6] =	sst s10  }
0x35: {  	s10 =	sld [smem:$0x3FB5];
	_ =	sdelay $0x3  }
0x36: {  	p1 =	seq.s32 s10, $0x1;
	s10 =	sld [smem:$0x3FB6];
	_ =	sdelay $0x3  }
0x37: {  	[smem:$0x3FB6] =	sst s10  }
0x38: {  	s10 =	sld [smem:$0x3FB7]  }
0x39: {  	_ = 	snop;
	(pc) =	sbr.ind lr, $3  }
0x3a: {  	_ = 	snop  }
0x3b: {  	_ = 	snop  }
0x3c: {  	p2 =	seq.s32 s10, $0x1;
	s10 =	sld [smem:$0x3FB6]  }
0x3d: {  	_ =	shalt  }
0x3e: {  	_ =	shalt  }
0x3f: {  	_ =	shalt  }
0x40: {  	_ =	shalt  }
0x41: {  	_ =	shalt  }
0x42: {  	_ =	shalt  }
0x43: {  	_ =	shalt  }
0x44: {  	_ =	shalt  }
0x45: {  	_ =	shalt  }
0x46: {  	_ =	shalt  }
0x47: {  	_ =	shalt  }
0x48: {  	_ =	shalt  }
0x49: {  	_ =	shalt  }
0x4a: {  	_ =	shalt  }
0x4b: {  	_ =	shalt  }
0x4c: {  	_ =	shalt  }
0x4d: {  	_ =	shalt  }
0x4e: {  	_ =	shalt  }
0x4f: {  	_ =	shalt  }
0x50: {  	_ =	shalt  }
0x51: {  	_ =	shalt  }
0x52: {  	_ =	shalt  }
0x53: {  	_ =	shalt  }
0x54: {  	_ =	shalt  }
0x55: {  	_ =	shalt  }
0x56: {  	_ =	shalt  }
0x57: {  	_ =	shalt  }
0x58: {  	_ =	shalt  }
0x59: {  	_ =	shalt  }
0x5a: {  	_ =	shalt  }
0x5b: {  	_ =	shalt  }
0x5c: {  	_ =	shalt  }
0x5d: {  	_ =	shalt  }
0x5e: {  	_ =	shalt  }
0x5f: {  	_ =	shalt  }
0x60: {  	_ =	shalt  }
0x61: {  	_ =	shalt  }
0x62: {  	_ =	shalt  }
0x63: {  	_ =	shalt  }
0x64: {  	_ =	shalt  }
0x65: {  	_ =	shalt  }
0x66: {  	_ =	shalt  }
0x67: {  	_ =	shalt  }
0x68: {  	_ =	shalt  }
0x69: {  	_ =	shalt  }
0x6a: {  	_ =	shalt  }
0x6b: {  	_ =	shalt  }
0x6c: {  	_ =	shalt  }
0x6d: {  	_ =	shalt  }
0x6e: {  	_ =	shalt  }
0x6f: {  	_ =	shalt  }
0x70: {  	_ =	shalt  }
0x71: {  	_ =	shalt  }
0x72: {  	_ =	shalt  }
0x73: {  	_ =	shalt  }
0x74: {  	_ =	shalt  }
0x75: {  	_ =	shalt  }
0x76: {  	_ =	shalt  }
0x77: {  	_ =	shalt  }
0x78: {  	_ =	shalt  }
0x79: {  	_ =	shalt  }
0x7a: {  	_ =	shalt  }
0x7b: {  	_ =	shalt  }
0x7c: {  	_ =	shalt  }
0x7d: {  	_ =	shalt  }
0x7e: {  	_ =	shalt  }
0x7f: {  	_ =	shalt  }
0x80: {  	_ =	shalt  }
0x81: {  	_ =	shalt  }
0x82: {  	_ =	shalt  }
0x83: {  	_ =	shalt  }
0x84: {  	_ =	shalt  }
0x85: {  	_ =	shalt  }
0x86: {  	_ =	shalt  }
0x87: {  	_ =	shalt  }
.Lfunc_end0:
.L_simem_size_0:
called_computation.1_lowered:
.L_overlay_start_0:
0x88: {  	s2 =	sld [smem:$0x3FD9]  }
0x89: {  	s3 =	sld [smem:$0x3FFE];
	_ =	sdelay $0x1  }
0x8a: {  	s1 =	srdreg.scid  }
0x8b: {  	s0 =	sand.u32 $0x1, s1  }
0x8c: {  	s17 =	sshll.u32 s0, $0xA;
	s2 =	sadd.s32 s3, s2  }
0x8d: {  	s2 =	sadd.s32 s2, s17  }
0x8e: {  	[smem:$0x3FC2] =	sst s2  }
0x8f: {  	_ = 	snop  }
0x90: {  	s2 =	sld [smem:$0x3FD0];
	(tm) =	ssettm $0x1  }
0x91: {  	s18 =	sld [smem:$0x3FFB];
	_ =	sdelay $0x3  }
0x92: {  	_ =	strace s18  }
0x93: {  	s3 =	sld [smem:$0x3FFC];
	_ =	sdelay $0x3  }
0x94: {  	_ =	strace s3  }
0x95: {  	s3 =	sld [smem:$0x3FFD];
	_ =	sdelay $0x3  }
0x96: {  	_ =	strace s3  }
0x97: {  	_ =	strace $0x8FFFFFFF  }
0x98: {  	s19 =	sld [smem:$0x3FDB];
	_ =	sdelay $0x1  }
0x99: {  	s4 =	simm.s32 $_scs_section_size  }
0x9a: {  	s5 =	simm.s32 $_size__tile_overlayer_lowered;
	s6 =	simm.s32 $_tile_overlayer_lowered  }
0x9b: {  	s22 =	simm.s32 $0x1BFF;
	s21 =	sshll.u32 s6, $0x1;
	s3 =	sadd.s32 s4, s19  }
0x9c: {  	s7 =	simm.s32 $0x0;
	s20 =	sshll.u32 s5, $0x1;
	s5 =	sadd.s32 s21, s3  }
0x9d: {  	[timem:s7], [sflag:s22] =	dma.local [hbm:s5], s20  }
0x9e: {  	_ =	swait.ge [sflag:s22], s20  }
0x9f: {  	s4 =	ssub.s32 $0x0, s20;
	[sflag:s22] =	ssyncset.done $0x0  }
0xa0: {  	[sflag:s22] =	ssyncadd.s32 s4;
	_ =	sdelay $0x1  }
0xa1: {  	s23 =	simm.s32 $0x1B8B  }
0xa2: {  	_ =	swait.ge [sflag:s23], $0x1  }
0xa3: {  	[sflag:s23] =	ssyncset.done $0x0  }
0xa4: {  	s25 =	simm.s32 $0x1B8E;
	s24 =	sld [smem:$0x3FFE];
	[sflag:s23] =	ssyncadd.s32 $0xFFFFFFFF  }
0xa5: {  	s26 =	simm.s32 $execute0_lowered;
	[smem:$0x3FD2] =	sst s25  }
0xa6: {  	s5 =	sshll.u32 s26, $0x1;
	_ =	strace $0x80000049;
	[dreg:$0x1] =	wrdreg $0xFFFFFFFF  }
0xa7: {  	s28 =	simm.s32 $_size_execute0_lowered;
	s3 =	sadd.s32 s3, s5;
	[dreg:$0x0] =	wrdreg $0x0  }
0xa8: {  	s5 =	sshll.u32 s28, $0x1;
	[dreg:$0x2] =	wrdreg s3  }
0xa9: {  	[dreg:$0x3] =	wrdreg s5  }
0xaa: {  	[dreg:$0x4] =	wrdreg $0xC0  }
0xab: {  	_ =	task [dreg:s7], $0x5FFFF  }
0xac: {  	[dreg:$0x1] =	wrdreg $0xFFFFFFFF  }
0xad: {  	[dreg:$0x0] =	wrdreg $0x60  }
0xae: {  	[dreg:$0x2] =	wrdreg s24  }
0xaf: {  	[dreg:$0x3] =	wrdreg s2  }
0xb0: {  	[dreg:$0x4] =	wrdreg $0x9  }
0xb1: {  	_ =	task.clear_ibuf [dreg:s7], $0x5FFFF;
	_ =	strace $0x90000049  }
0xb2: {  	s29 =	simm.s32 $0x9;
	_ =	strace $0x8000004B  }
0xb3: {  	_ =	swait.ge [sflag:s29], $0x1  }
0xb4: {  	[sflag:s29] =	ssyncadd.s32 $0xFFFFFFFF  }
0xb5: {  	_ =	strace $0x9000004B  }
0xb6: {  	_ =	sfence  }
0xb7: {  	s30 =	sld [smem:$0x0];
	_ =	sdelay $0x2  }
0xb8: {  	s31 =	sshll.u32 s1, $0xD;
	s1 =	sshrl.u32 s1, $0x2  }
0xb9: {  	s3 =	sand.u32 $0x4000, s31;
	s1 =	sadd.s32 s1, s30  }
0xba: {  	s0 =	sor.u32 s3, s0;
	s1 =	sshll.u32 s1, $0x11  }
0xbb: {  	s0 =	sor.u32 s1, s0  }
0xbc: {  	s0 =	sadd.s32 $0x8F2B, s0  }
0xbd: {  	[sflag:s0] =	ssyncadd.remote.s32 $0x1  }
0xbe: {  	_ =	sfence.sel $0xFFFF  }
0xbf: {  	[dreg:$0x0] =	wrdreg $0xFFFFFFFF;
	(pc) =	sbr.abs _section_cstart, $3  }
0xc0: {  	[dreg:$0x1] =	wrdreg $0xFFFFFFFF  }
0xc1: {  	_ =	task.clear_ibuf [dreg:s7], $0x2FFFF;
	_ =	strace $0x9FFFFFFF  }
0xc2: {  	(tm) =	ssettm $0x7FFFFFFF  }
0xc3: {  	_ =	shalt  }
tec
execute0_lowered:
.L_overlay_start_1:
0x0: {  	(tag) =	ssettag $0x1  }
0x1: {  	s0 =	rddreg [dreg:$0x0]  }
0x2: {  	s1 =	rddreg [dreg:$0x1]  }
0x3: {  	s3 =	srdreg.scid;
	s2 =	simm.s32 $0x0;
	s4 =	stileid.u32  }
0x4: {  	s10 =	simm.s32 $0x2;
	s12 =	simm.s32 $0x100;
	s22 =	simm.s32 $0x5100  }
0x5: {  	s23 =	simm.s32 $0x5900;
	s24 =	simm.s32 $0x6100;
	s25 =	simm.s32 $0x6900  }
0x6: {  	s28 =	simm.s32 $0x7900;
	s29 =	simm.s32 $0x8100;
	s30 =	simm.s32 $0x8900  }
0x7: {  	s31 =	simm.s32 $0x9100;
	s11 =	simm.s32 $0xA900;
	s13 =	simm.s32 $0xB100  }
0x8: {  	s14 =	simm.s32 $0xB900;
	s15 =	simm.s32 $0x1;
	s16 =	simm.s32 $0x0  }
0x9: {  	s3 =	sand.u32 $0x1, s3;
	[smem:$0x7FF] =	sst s2;
	s4 =	sshll.u32 s4, $0x4  }
0xa: {  	s5 =	sshll.u32 s3, $0x3;
	_ =	strace $0x8000004A;
	s26 =	ssub.s32 $0x2, s3  }
0xb: {  	s3 =	sadd.s32 $0x1600, s0;
	s5 =	sor.u32 s5, s4;
	s7 =	sshrl.u32 s26, $0x1  }
0xc: {  	s6 =	sadd.s32 s5, s0;
	s9 =	ssub.s32 s26, s7;
	s8 =	smul.u32 $0x300, s5  }
0xd: {  	v2 =	vlaneseq.u32;
	s7 =	sadd.s32 $0x1800, s0;
	s26 =	simm.s32 $0x7100;
	s4 =	sadd.s32 $0x1400, s6  }
0xe: {  	vm0 =	vmmov $0xffff;
	v1 =	vshrl.u32 v2, $0x3;
	s5 =	sadd.s32 $0x1200, s6;
	s6 =	sadd.s32 $0x1700, s0;
	s9 =	smax.u32 s9, $0x1  }
0xf: {  	v0 =	vand.u32 $0x7, v2;
	v2 =	vor.u32 $0x8, v2;
	v1 =	vmul.u32 $0x8, v1;
	s0 =	simm.s32 $0x9900;
	s8 =	sadd.s32 s1, s8;
	s1 =	simm.s32 $0xA100  }
.LBB2_1:
0x10: {  	[tilespmem:s2], [sflag:$0x2] =	stream.linear.gather [hbm4b:s4+s2], $0x40, $0x38;
	[tilespmem:$0xC100] =	vst v63  }
0x11: {  	_ =	swait.ge [sflag:s10], $0x40  }
0x12: {  	[sflag:s10] =	ssyncset.done $0x0  }
0x13: {  	s17 =	simm.s32 $0x80;
	[sflag:s10] =	ssyncadd.s32 $0xFFFFFFC0  }
0x14: {  	[tilespmem:s17], [sflag:$0x2] =	stream.linear.gather [hbm4b:s5+s2], $0x40, $0x38;
	[tilespmem:$0xC100] =	vst v63  }
0x15: {  	_ =	swait.ge [sflag:s10], $0x40  }
0x16: {  	[sflag:s10] =	ssyncset.done $0x0  }
0x17: {  	[sflag:s10] =	ssyncadd.s32 $0xFFFFFFC0  }
0x18: {  	v3 =	vld [tilespmem:$0x0];
	_ =	sdelay $0x4  }
0x19: {  	v4 =	vshrl.u32 v3, $0x3  }
0x1a: {  	v4 =	vmul.u32 $0x30, v4  }
0x1b: {  	v3 =	vand.u32 $0x7, v3  }
0x1c: {  	v3 =	vor.u32 v3, v4  }
0x1d: {  	v4 =	vperm.xlane v3, v0;
	_ =	sdelay $0x1  }
0x1e: {  	v4 =	vadd.s32 v1, v4;
	_ =	sdelay $0x3  }
0x1f: {  	v3 =	vperm.xlane v3, v2  }
0x20: {  	[tilespmem:s12], [sflag:$0x1] =	stream.indirect_vreg.gather [hbm4b:s3+s2], $0x80, v4, vm0, $0xb8;
	[tilespmem:$0xC100] =	vst v63  }
0x21: {  	s21 =	simm.s32 $0x900;
	v3 =	vadd.s32 v1, v3  }
0x22: {  	[tilespmem:s21], [sflag:$0x1] =	stream.indirect_vreg.gather [hbm4b:s6+s2], $0x80, v4, vm0, $0xb8;
	[tilespmem:$0xC100] =	vst v63  }
0x23: {  	s18 =	simm.s32 $0x1100  }
0x24: {  	[tilespmem:s18], [sflag:$0x1] =	stream.indirect_vreg.gather [hbm4b:s7+s2], $0x80, v4, vm0, $0xb8;
	[tilespmem:$0xC100] =	vst v63  }
0x25: {  	s19 =	simm.s32 $0x1900  }
0x26: {  	[tilespmem:s19], [sflag:$0x1] =	stream.indirect_vreg.gather [hbm4b:s3+s2], $0x80, v3, vm0, $0xb8;
	[tilespmem:$0xC100] =	vst v63  }
0x27: {  	s20 =	simm.s32 $0x2100  }
0x28: {  	[tilespmem:s20], [sflag:$0x1] =	stream.indirect_vreg.gather [hbm4b:s6+s2], $0x80, v3, vm0, $0xb8;
	[tilespmem:$0xC100] =	vst v63  }
0x29: {  	s21 =	simm.s32 $0x2900  }
0x2a: {  	[tilespmem:s21], [sflag:$0x1] =	stream.indirect_vreg.gather [hbm4b:s7+s2], $0x80, v3, vm0, $0xb8;
	[tilespmem:$0xC100] =	vst v63  }
0x2b: {  	v3 =	vld [tilespmem:$0x10];
	_ =	sdelay $0x4  }
0x2c: {  	v61 =	vshrl.u32 v3, $0x3  }
0x2d: {  	v4 =	vmul.u32 $0x30, v61  }
0x2e: {  	v3 =	vand.u32 $0x7, v3  }
0x2f: {  	v3 =	vor.u32 v3, v4  }
0x30: {  	v4 =	vperm.xlane v3, v0;
	_ =	sdelay $0x1  }
0x31: {  	v4 =	vadd.s32 v1, v4;
	_ =	sdelay $0x3  }
0x32: {  	s18 =	simm.s32 $0x3100;
	v3 =	vperm.xlane v3, v2  }
0x33: {  	[tilespmem:s18], [sflag:$0x1] =	stream.indirect_vreg.gather [hbm4b:s3+s2], $0x80, v4, vm0, $0xb8;
	[tilespmem:$0xC100] =	vst v63  }
0x34: {  	s19 =	simm.s32 $0x3900;
	v3 =	vadd.s32 v1, v3  }
0x35: {  	[tilespmem:s19], [sflag:$0x1] =	stream.indirect_vreg.gather [hbm4b:s6+s2], $0x80, v4, vm0, $0xb8;
	[tilespmem:$0xC100] =	vst v63  }
0x36: {  	s20 =	simm.s32 $0x4100  }
0x37: {  	[tilespmem:s20], [sflag:$0x1] =	stream.indirect_vreg.gather [hbm4b:s7+s2], $0x80, v4, vm0, $0xb8;
	[tilespmem:$0xC100] =	vst v63  }
0x38: {  	s21 =	simm.s32 $0x4900  }
0x39: {  	[tilespmem:s21], [sflag:$0x1] =	stream.indirect_vreg.gather [hbm4b:s3+s2], $0x80, v3, vm0, $0xb8;
	[tilespmem:$0xC100] =	vst v63  }
0x3a: {  	_ = 	snop  }
0x3b: {  	[tilespmem:s22], [sflag:$0x1] =	stream.indirect_vreg.gather [hbm4b:s6+s2], $0x80, v3, vm0, $0xb8;
	[tilespmem:$0xC100] =	vst v63  }
0x3c: {  	_ = 	snop  }
0x3d: {  	[tilespmem:s23], [sflag:$0x1] =	stream.indirect_vreg.gather [hbm4b:s7+s2], $0x80, v3, vm0, $0xb8;
	[tilespmem:$0xC100] =	vst v63  }
0x3e: {  	v3 =	vld [tilespmem:$0x20];
	_ =	sdelay $0x4  }
0x3f: {  	v62 =	vshrl.u32 v3, $0x3  }
0x40: {  	v4 =	vmul.u32 $0x30, v62  }
0x41: {  	v3 =	vand.u32 $0x7, v3  }
0x42: {  	v3 =	vor.u32 v3, v4  }
0x43: {  	v4 =	vperm.xlane v3, v0;
	_ =	sdelay $0x1  }
0x44: {  	v4 =	vadd.s32 v1, v4;
	_ =	sdelay $0x3  }
0x45: {  	v3 =	vperm.xlane v3, v2  }
0x46: {  	[tilespmem:s24], [sflag:$0x1] =	stream.indirect_vreg.gather [hbm4b:s3+s2], $0x80, v4, vm0, $0xb8;
	[tilespmem:$0xC100] =	vst v63  }
0x47: {  	v3 =	vadd.s32 v1, v3  }
0x48: {  	[tilespmem:s25], [sflag:$0x1] =	stream.indirect_vreg.gather [hbm4b:s6+s2], $0x80, v4, vm0, $0xb8;
	[tilespmem:$0xC100] =	vst v63  }
0x49: {  	_ = 	snop  }
0x4a: {  	[tilespmem:s26], [sflag:$0x1] =	stream.indirect_vreg.gather [hbm4b:s7+s2], $0x80, v4, vm0, $0xb8;
	[tilespmem:$0xC100] =	vst v63  }
0x4b: {  	_ = 	snop  }
0x4c: {  	[tilespmem:s28], [sflag:$0x1] =	stream.indirect_vreg.gather [hbm4b:s3+s2], $0x80, v3, vm0, $0xb8;
	[tilespmem:$0xC100] =	vst v63  }
0x4d: {  	_ = 	snop  }
0x4e: {  	[tilespmem:s29], [sflag:$0x1] =	stream.indirect_vreg.gather [hbm4b:s6+s2], $0x80, v3, vm0, $0xb8;
	[tilespmem:$0xC100] =	vst v63  }
0x4f: {  	_ = 	snop  }
0x50: {  	[tilespmem:s30], [sflag:$0x1] =	stream.indirect_vreg.gather [hbm4b:s7+s2], $0x80, v3, vm0, $0xb8;
	[tilespmem:$0xC100] =	vst v63  }
0x51: {  	v3 =	vld [tilespmem:$0x30];
	_ =	sdelay $0x4  }
0x52: {  	v63 =	vshrl.u32 v3, $0x3  }
0x53: {  	v4 =	vmul.u32 $0x30, v63  }
0x54: {  	v3 =	vand.u32 $0x7, v3  }
0x55: {  	v3 =	vor.u32 v3, v4  }
0x56: {  	v4 =	vperm.xlane v3, v0;
	_ =	sdelay $0x1  }
0x57: {  	v4 =	vadd.s32 v1, v4;
	_ =	sdelay $0x3  }
0x58: {  	v3 =	vperm.xlane v3, v2  }
0x59: {  	[tilespmem:s31], [sflag:$0x1] =	stream.indirect_vreg.gather [hbm4b:s3+s2], $0x80, v4, vm0, $0xb8;
	[tilespmem:$0xC100] =	vst v63  }
0x5a: {  	v3 =	vadd.s32 v1, v3  }
0x5b: {  	[tilespmem:s0], [sflag:$0x1] =	stream.indirect_vreg.gather [hbm4b:s6+s2], $0x80, v4, vm0, $0xb8;
	[tilespmem:$0xC100] =	vst v63  }
0x5c: {  	_ = 	snop  }
0x5d: {  	[tilespmem:s1], [sflag:$0x1] =	stream.indirect_vreg.gather [hbm4b:s7+s2], $0x80, v4, vm0, $0xb8;
	[tilespmem:$0xC100] =	vst v63  }
0x5e: {  	_ = 	snop  }
0x5f: {  	[tilespmem:s11], [sflag:$0x1] =	stream.indirect_vreg.gather [hbm4b:s3+s2], $0x80, v3, vm0, $0xb8;
	[tilespmem:$0xC100] =	vst v63  }
0x60: {  	_ = 	snop  }
0x61: {  	[tilespmem:s13], [sflag:$0x1] =	stream.indirect_vreg.gather [hbm4b:s6+s2], $0x80, v3, vm0, $0xb8;
	[tilespmem:$0xC100] =	vst v63  }
0x62: {  	_ = 	snop  }
0x63: {  	[tilespmem:s14], [sflag:$0x1] =	stream.indirect_vreg.gather [hbm4b:s7+s2], $0x80, v3, vm0, $0xb8;
	[tilespmem:$0xC100] =	vst v63  }
0x64: {  	_ =	swait.ge [sflag:s15], $0xC000  }
0x65: {  	s17 =	simm.s32 $0x0;
	[sflag:s15] =	ssyncset.done $0x0  }
0x66: {  	s18 =	simm.s32 $0x0;
	s19 =	simm.s32 $0x0;
	[sflag:s15] =	ssyncadd.s32 $0xFFFF4000  }
.LBB2_2:
0x67: {  	s20 =	sshrl.u32 s19, $0x3  }
0x68: {  	s21 =	sand.u32 $0xC0, s17;
	s20 =	smul.u32 $0x6000, s20  }
0x69: {  	s21 =	sshrl.u32 s21, $0x2  }
0x6a: {  	v3 =	vld [tilespmem:s21+$0x80];
	s21 =	sand.u32 $0x380, s18;
	s20 =	sshra.s32 s20, $0x2  }
0x6b: {  	s20 =	sor.u32 s21, s20  }
0x6c: {  	v4 =	vld [tilespmem:s20+$0x100]  }
0x6d: {  	v5 =	vld [tilespmem:s20+$0x110]  }
0x6e: {  	v6 =	vmov s19;
	v7 =	vld [tilespmem:s20+$0x120]  }
0x6f: {  	v29 =	vld [tilespmem:s20+$0x130];
	v3 =	vperm.xlane v3, v6  }
0x70: {  	v8 =	vld [tilespmem:s20+$0x140]  }
0x71: {  	v9 =	vld [tilespmem:s20+$0x150];
	v4 =	vmul.f32 v4, v3  }
0x72: {  	v10 =	vld [tilespmem:s20+$0x160];
	v5 =	vmul.f32 v5, v3  }
0x73: {  	v31 =	vld [tilespmem:s20+$0x170];
	v30 =	vmul.f32 v7, v3;
	[tilespmem:s20+$0x100] =	vst v4  }
0x74: {  	v33 =	vld [tilespmem:s20+$0x500];
	v32 =	vmul.f32 v29, v3;
	[tilespmem:s20+$0x110] =	vst v5  }
0x75: {  	v35 =	vld [tilespmem:s20+$0x510];
	v34 =	vmul.f32 v8, v3;
	[tilespmem:s20+$0x120] =	vst v30  }
0x76: {  	v37 =	vld [tilespmem:s20+$0x520];
	v36 =	vmul.f32 v9, v3;
	[tilespmem:s20+$0x130] =	vst v32  }
0x77: {  	v39 =	vld [tilespmem:s20+$0x530];
	v38 =	vmul.f32 v10, v3;
	[tilespmem:s20+$0x140] =	vst v34  }
0x78: {  	v41 =	vld [tilespmem:s20+$0x540];
	v40 =	vmul.f32 v31, v3;
	[tilespmem:s20+$0x150] =	vst v36  }
0x79: {  	v43 =	vld [tilespmem:s20+$0x550];
	v42 =	vmul.f32 v33, v3;
	[tilespmem:s20+$0x160] =	vst v38  }
0x7a: {  	v45 =	vld [tilespmem:s20+$0x560];
	v44 =	vmul.f32 v35, v3;
	[tilespmem:s20+$0x170] =	vst v40  }
0x7b: {  	v47 =	vld [tilespmem:s20+$0x570];
	v46 =	vmul.f32 v37, v3;
	[tilespmem:s20+$0x500] =	vst v42  }
0x7c: {  	v49 =	vld [tilespmem:s20+$0x900];
	v48 =	vmul.f32 v39, v3;
	[tilespmem:s20+$0x510] =	vst v44  }
0x7d: {  	v51 =	vld [tilespmem:s20+$0x910];
	v50 =	vmul.f32 v41, v3;
	[tilespmem:s20+$0x520] =	vst v46  }
0x7e: {  	v53 =	vld [tilespmem:s20+$0x920];
	v52 =	vmul.f32 v43, v3;
	[tilespmem:s20+$0x530] =	vst v48  }
0x7f: {  	v55 =	vld [tilespmem:s20+$0x930];
	v54 =	vmul.f32 v45, v3;
	[tilespmem:s20+$0x540] =	vst v50  }
0x80: {  	v57 =	vld [tilespmem:s20+$0x940];
	v56 =	vmul.f32 v47, v3;
	[tilespmem:s20+$0x550] =	vst v52  }
0x81: {  	v59 =	vld [tilespmem:s20+$0x950];
	v58 =	vmul.f32 v49, v3;
	[tilespmem:s20+$0x560] =	vst v54  }
0x82: {  	v61 =	vld [tilespmem:s20+$0x960];
	v60 =	vmul.f32 v51, v3;
	[tilespmem:s20+$0x570] =	vst v56  }
0x83: {  	v63 =	vld [tilespmem:s20+$0x970];
	v62 =	vmul.f32 v53, v3;
	[tilespmem:s20+$0x900] =	vst v58  }
0x84: {  	v13 =	vld [tilespmem:s20+$0xD00];
	v12 =	vmul.f32 v55, v3;
	[tilespmem:s20+$0x910] =	vst v60  }
0x85: {  	v15 =	vld [tilespmem:s20+$0xD10];
	v14 =	vmul.f32 v57, v3;
	[tilespmem:s20+$0x920] =	vst v62  }
0x86: {  	v17 =	vld [tilespmem:s20+$0xD20];
	v16 =	vmul.f32 v59, v3;
	[tilespmem:s20+$0x930] =	vst v12  }
0x87: {  	v19 =	vld [tilespmem:s20+$0xD30];
	v18 =	vmul.f32 v61, v3;
	[tilespmem:s20+$0x940] =	vst v14  }
0x88: {  	v21 =	vld [tilespmem:s20+$0xD40];
	v20 =	vmul.f32 v63, v3;
	[tilespmem:s20+$0x950] =	vst v16  }
0x89: {  	v23 =	vld [tilespmem:s20+$0xD50];
	v22 =	vmul.f32 v13, v3;
	[tilespmem:s20+$0x960] =	vst v18  }
0x8a: {  	v25 =	vld [tilespmem:s20+$0xD60];
	v24 =	vmul.f32 v15, v3;
	[tilespmem:s20+$0x970] =	vst v20  }
0x8b: {  	v27 =	vld [tilespmem:s20+$0xD70];
	v26 =	vmul.f32 v17, v3;
	[tilespmem:s20+$0xD00] =	vst v22  }
0x8c: {  	v28 =	vmul.f32 v19, v3;
	v29 =	vld [tilespmem:s20+$0x1100];
	[tilespmem:s20+$0xD10] =	vst v24  }
0x8d: {  	v31 =	vld [tilespmem:s20+$0x1110];
	[tilespmem:s20+$0xD20] =	vst v26;
	v30 =	vmul.f32 v21, v3  }
0x8e: {  	v33 =	vld [tilespmem:s20+$0x1120];
	[tilespmem:s20+$0xD30] =	vst v28;
	v32 =	vmul.f32 v23, v3  }
0x8f: {  	v35 =	vld [tilespmem:s20+$0x1130];
	v34 =	vmul.f32 v25, v3;
	[tilespmem:s20+$0xD40] =	vst v30  }
0x90: {  	v37 =	vld [tilespmem:s20+$0x1140];
	v36 =	vmul.f32 v27, v3;
	[tilespmem:s20+$0xD50] =	vst v32  }
0x91: {  	v39 =	vld [tilespmem:s20+$0x1150];
	[tilespmem:s20+$0xD60] =	vst v34;
	v38 =	vmul.f32 v29, v3  }
0x92: {  	v41 =	vld [tilespmem:s20+$0x1160];
	[tilespmem:s20+$0xD70] =	vst v36;
	v40 =	vmul.f32 v31, v3  }
0x93: {  	v43 =	vld [tilespmem:s20+$0x1170];
	v42 =	vmul.f32 v33, v3;
	[tilespmem:s20+$0x1100] =	vst v38  }
0x94: {  	v45 =	vld [tilespmem:s20+$0x1500];
	v44 =	vmul.f32 v35, v3;
	[tilespmem:s20+$0x1110] =	vst v40  }
0x95: {  	v47 =	vld [tilespmem:s20+$0x1510];
	v46 =	vmul.f32 v37, v3;
	[tilespmem:s20+$0x1120] =	vst v42  }
0x96: {  	v49 =	vld [tilespmem:s20+$0x1520];
	v48 =	vmul.f32 v39, v3;
	[tilespmem:s20+$0x1130] =	vst v44  }
0x97: {  	v51 =	vld [tilespmem:s20+$0x1530];
	v50 =	vmul.f32 v41, v3;
	[tilespmem:s20+$0x1140] =	vst v46  }
0x98: {  	v53 =	vld [tilespmem:s20+$0x1540];
	v52 =	vmul.f32 v43, v3;
	[tilespmem:s20+$0x1150] =	vst v48  }
0x99: {  	v55 =	vld [tilespmem:s20+$0x1550];
	v54 =	vmul.f32 v45, v3;
	[tilespmem:s20+$0x1160] =	vst v50  }
0x9a: {  	v57 =	vld [tilespmem:s20+$0x1560];
	v56 =	vmul.f32 v47, v3;
	[tilespmem:s20+$0x1170] =	vst v52  }
0x9b: {  	v59 =	vld [tilespmem:s20+$0x1570];
	v58 =	vmul.f32 v49, v3;
	[tilespmem:s20+$0x1500] =	vst v54  }
0x9c: {  	v60 =	vmul.f32 v51, v3;
	[tilespmem:s20+$0x1510] =	vst v56  }
0x9d: {  	p0 =	sne.s32 s19, $0x3F;
	v61 =	vmul.f32 v53, v3;
	[tilespmem:s20+$0x1520] =	vst v58  }
.Ltmp0:
0x9e: {  	v62 =	vmul.f32 v55, v3;
	[tilespmem:s20+$0x1530] =	vst v60;
	(pc) =	sbr.rel @p0 .LBB2_2-.Ltmp0, $4  }
0x9f: {  	v63 =	vmul.f32 v57, v3;
	[tilespmem:s20+$0x1540] =	vst v61  }
0xa0: {  	v3 =	vmul.f32 v59, v3;
	[tilespmem:s20+$0x1550] =	vst v62  }
0xa1: {  	[tilespmem:s20+$0x1560] =	vst v63  }
0xa2: {  	s17 =	sadd.s32 $0x4, s17;
	s19 =	sadd.s32 $0x1, s19;
	s18 =	sadd.s32 $0x80, s18;
	[tilespmem:s20+$0x1570] =	vst v3  }
0xa3: {  	s16 =	sadd.s32 $0x1, s16  }
0xa4: {  	p0 =	sne.s32 s16, s9  }
.Ltmp1:
0xa5: {  	_ = 	snop;
	(pc) =	sbr.rel @p0 .LBB2_1-.Ltmp1, $4  }
0xa6: {  	[hbm4b:s8+s2] =	stream.linear.scatter [tilespmem:s12], [sflag:$0x2], $0xC000, $0x38;
	[tilespmem:$0xC100] =	vst v63  }
0xa7: {  	_ =	swait.ge [sflag:s10], $0xC000  }
0xa8: {  	[sflag:s10] =	ssyncset.done $0x0  }
0xa9: {  	[sflag:s10] =	ssyncadd.s32 $0xFFFF4000  }
0xaa: {  	_ =	sfence.sel $0x180000  }
0xab: {  	[bflag:$0x0] =	sbarrier.arrive $0xFFFF  }
0xac: {  	_ =	strace $0x9000004A  }
0xad: {  	s0 =	stileid.u32;
	[bflag:$0x2] =	sbarrier.arrive $0xFFFF  }
0xae: {  	p0 =	sne.s32 s0, $0x0;
	s0 =	rddreg [dreg:$0x2]  }
0xaf: {  	s0 =	sadd.s32 @!p0 $0x100000, s0  }
0xb0: {  	[sflag:s0] =	ssyncadd.tile.s32 @!p0 $0x1;
	_ =	shalt  }
.Lfunc_end2:
_tile_overlayer_lowered:
.L_overlay_start_2:
0xb1: {  	(tag) =	ssettag $0x2  }
0xb2: {  	s0 =	rddreg [dreg:$0x0];
	s2 =	stileid.u32  }
0xb3: {  	s1 =	rddreg [dreg:$0x1];
	p0 =	sne.s32 s2, $0x0  }
0xb4: {  	s3 =	rddreg [dreg:$0x2];
	[bflag:$0x3] =	sbarrier.arrive $0xFFFF;
	s2 =	simm.s32 @!p0 $0x1C02  }
0xb5: {  	[timem:s3], [sflag:s2] =	dma.local @!p0 [hbm:s0], s1  }
0xb6: {  	s0 =	simm.s32 @!p0 $0x2  }
0xb7: {  	_ =	swait.ge @!p0 [sflag:s0], s1  }
0xb8: {  	s1 =	ssub.s32 @!p0 $0x0, s1;
	[sflag:s0] =	ssyncset.done @!p0 $0x0  }
0xb9: {  	[sflag:s0] =	ssyncadd.s32 @!p0 s1  }
0xba: {  	[bflag:$0x3] =	sbarrier.arrive $0xFFFF  }
0xbb: {  	_ =	shalt  }

</sc_bundles>
